<compile_context>
chip_gen: v7x
topology: tpu7x:2x2x1
jax: 0.10.2.dev20260603
libtpu: 0.0.44.dev20260713+nightly
codegen_flags: <defaults>
</compile_context>

<pallas_src>
import jax
import jax.numpy as jnp
from jax import lax
from jax.experimental import pallas as pl
from jax.experimental.pallas import tpu as pltpu
from jax.experimental.pallas import tpu_sc as plsc

N = 10000
E = 320000
D = 128

NC = 2
NS = 16
NW = NC * NS
EPT = E // NW
CH = 128
NFULL = EPT // CH
REM = EPT - NFULL * CH
L = 16
NP = 10240
RPW = NP // NS


def _make_agg(with_counts: bool):
  mesh = plsc.VectorSubcoreMesh(
      core_axis_name="c", subcore_axis_name="s", num_cores=NC, num_subcores=NS)

  out_type = [jax.ShapeDtypeStruct((NC, NP, D), jnp.float32)]
  scratch = [
      pltpu.VMEM_SHARED((NP, D), jnp.float32),
      pltpu.VMEM((CH,), jnp.int32),
      pltpu.VMEM((CH,), jnp.int32),
      pltpu.VMEM((CH,), jnp.int32),
      pltpu.VMEM((CH,), jnp.int32),
      pltpu.VMEM((CH, D), jnp.float32),
      pltpu.VMEM((CH, D), jnp.float32),
      pltpu.VMEM((REM,), jnp.int32),
      pltpu.VMEM((REM,), jnp.int32),
      pltpu.VMEM((REM, D), jnp.float32),
      pltpu.SemaphoreType.DMA,
      pltpu.SemaphoreType.DMA,
  ]
  if with_counts:
    out_type.append(jax.ShapeDtypeStruct((NC, NS, NP), jnp.float32))
    scratch += [
        pltpu.VMEM((NP,), jnp.float32),
        pltpu.VMEM((L,), jnp.float32),
    ]

  def body(*refs):
    if with_counts:
      (h, srcs, dsts, zeros, zeros1, ones_h, part, cnt_out,
       acc, src_a, dst_a, src_b, dst_b, rows_a, rows_b, src_r, dst_r,
       rows_r, sem_a, sem_b, cnt_l, ones_v) = refs
    else:
      (h, srcs, dsts, zeros, part,
       acc, src_a, dst_a, src_b, dst_b, rows_a, rows_b, src_r, dst_r,
       rows_r, sem_a, sem_b) = refs
    c = lax.axis_index("c")
    s = lax.axis_index("s")
    wid = s * NC + c
    rb = s * RPW
    pltpu.sync_copy(zeros.at[pl.ds(rb, RPW), :], acc.at[pl.ds(rb, RPW), :])
    if with_counts:
      pltpu.sync_copy(zeros1, cnt_l)
      pltpu.sync_copy(ones_h, ones_v)
    plsc.subcore_barrier()

    eb = wid * EPT

    def counts(dref):
      if with_counts:
        ones16 = ones_v[...]
        for i in range(CH // L):
          plsc.addupdate_scatter(cnt_l, [dref[pl.ds(i * L, L)]], ones16)

    def step(i, carry):
      off = pl.multiple_of(eb + 2 * i * CH, 8)
      pltpu.sync_copy(srcs.at[pl.ds(off, CH)], src_a)
      pltpu.sync_copy(dsts.at[pl.ds(off, CH)], dst_a)
      ga = pltpu.async_copy(h.at[src_a], rows_a, sem_a)
      pltpu.sync_copy(srcs.at[pl.ds(off + CH, CH)], src_b)
      pltpu.sync_copy(dsts.at[pl.ds(off + CH, CH)], dst_b)
      gb = pltpu.async_copy(h.at[src_b], rows_b, sem_b)
      ga.wait()
      pltpu.sync_copy(rows_a, acc.at[dst_a], add=True)
      counts(dst_a)
      gb.wait()
      pltpu.sync_copy(rows_b, acc.at[dst_b], add=True)
      counts(dst_b)
      return carry

    lax.fori_loop(0, NFULL // 2, step, 0)

    offr = pl.multiple_of(eb + NFULL * CH, 8)
    pltpu.sync_copy(srcs.at[pl.ds(offr, REM)], src_r)
    pltpu.sync_copy(dsts.at[pl.ds(offr, REM)], dst_r)
    pltpu.async_copy(h.at[src_r], rows_r, sem_a).wait()
    pltpu.sync_copy(rows_r, acc.at[dst_r], add=True)
    if with_counts:
      plsc.addupdate_scatter(cnt_l, [dst_r[...]], ones_v[...])

    plsc.subcore_barrier()
    pltpu.sync_copy(acc.at[pl.ds(rb, RPW), :], part.at[c, pl.ds(rb, RPW), :])
    if with_counts:
      pltpu.sync_copy(cnt_l, cnt_out.at[c, s])

  return pl.kernel(
      body, out_type=out_type, mesh=mesh, scratch_types=scratch,
      compiler_params=pltpu.CompilerParams(needs_layout_passes=False))


_agg_counts = _make_agg(True)
_agg = _make_agg(False)

BR = 1024


def _lin_body(x_ref, w_ref, b_ref, o_ref):
  o_ref[...] = lax.dot_general(
      x_ref[...], w_ref[...], (((1,), (1,)), ((), ())),
      preferred_element_type=jnp.float32) + b_ref[...]


BRL = 1000

_linear = pl.pallas_call(
    _lin_body,
    grid=(N // BRL,),
    in_specs=[
        pl.BlockSpec((BRL, D), lambda i: (i, 0)),
        pl.BlockSpec((D, D), lambda i: (0, 0)),
        pl.BlockSpec((1, D), lambda i: (0, 0)),
    ],
    out_specs=pl.BlockSpec((BRL, D), lambda i: (i, 0)),
    out_shape=jax.ShapeDtypeStruct((N, D), jnp.float32),
)


def _mid_body(p_ref, c_ref, w_ref, b_ref, o_ref):
  ssum = p_ref[0] + p_ref[1]
  cnt = jnp.sum(c_ref[...], axis=0)[:, None]
  h = jnp.maximum(ssum / jnp.maximum(cnt, 1.0), 0.0)
  o_ref[...] = lax.dot_general(
      h, w_ref[...], (((1,), (1,)), ((), ())),
      preferred_element_type=jnp.float32) + b_ref[...]


_mid = pl.pallas_call(
    _mid_body,
    grid=(NP // BR,),
    in_specs=[
        pl.BlockSpec((NC, BR, D), lambda i: (0, i, 0)),
        pl.BlockSpec((NW, BR), lambda i: (0, i)),
        pl.BlockSpec((D, D), lambda i: (0, 0)),
        pl.BlockSpec((1, D), lambda i: (0, 0)),
    ],
    out_specs=pl.BlockSpec((BR, D), lambda i: (i, 0)),
    out_shape=jax.ShapeDtypeStruct((NP, D), jnp.float32),
)


def _fin_body(p_ref, c_ref, o_ref):
  ssum = p_ref[0] + p_ref[1]
  cnt = jnp.sum(c_ref[...], axis=0)[:, None]
  o_ref[...] = ssum / jnp.maximum(cnt, 1.0)


_fin = pl.pallas_call(
    _fin_body,
    grid=(NP // BR,),
    in_specs=[
        pl.BlockSpec((NC, BR, D), lambda i: (0, i, 0)),
        pl.BlockSpec((NW, BR), lambda i: (0, i)),
    ],
    out_specs=pl.BlockSpec((BR, D), lambda i: (i, 0)),
    out_shape=jax.ShapeDtypeStruct((NP, D), jnp.float32),
)


@jax.jit
def kernel(x, edge_index, label_p, cm, W1, b1, W2, b2):
  src = edge_index[0]
  dst = edge_index[1]
  zeros = jnp.zeros((NP, D), jnp.float32)
  zeros1 = jnp.zeros((NP,), jnp.float32)
  ones = jnp.ones((L,), jnp.float32)
  h1 = _linear(x, W1, b1.reshape(1, D))
  part1, cnt = _agg_counts(h1, src, dst, zeros, zeros1, ones)
  cnt = cnt.reshape(NW, NP)
  h2 = _mid(part1, cnt, W2, b2.reshape(1, D))
  (part2,) = _agg(h2, src, dst, zeros)
  return _fin(part2, cnt)[:N]

# --- scband reference (transcript-rebuilt; emitter-appended) ---
"""Pipeline reference for scband-sage-42331197669872 (READ-ONLY COPY).

The authoritative reference and input builder live on the scoring server;
editing this copy changes nothing except your own understanding.
"""

import jax, jax.numpy as jnp
import numpy as np

N_NODES = 10000
N_EDGES = 320000
D_IN = 128
D_HID = 128
D_OUT = 128


def setup_inputs(seed: int = 0) -> dict:
    key = jax.random.key(seed)
    ks = jax.random.split(key, 8)
    x = jax.random.normal(ks[0], (N_NODES, D_IN), dtype=jnp.float32)
    edge_index = jax.random.randint(ks[1], (2, N_EDGES), 0, N_NODES, dtype=jnp.int32)
    # rsl=0.0 -> label_p and cm are unused dummies
    label_p = jnp.zeros((1,), dtype=jnp.float32)
    cm = jnp.zeros((1,), dtype=jnp.float32)
    # Linear params for the two SAGEConv layers (torch Linear: y = x @ W.T + b)
    s1 = 1.0 / np.sqrt(D_IN)
    s2 = 1.0 / np.sqrt(D_HID)
    W1 = jax.random.uniform(ks[2], (D_HID, D_IN), dtype=jnp.float32, minval=-s1, maxval=s1)
    b1 = jax.random.uniform(ks[3], (D_HID,), dtype=jnp.float32, minval=-s1, maxval=s1)
    W2 = jax.random.uniform(ks[4], (D_OUT, D_HID), dtype=jnp.float32, minval=-s2, maxval=s2)
    b2 = jax.random.uniform(ks[5], (D_OUT,), dtype=jnp.float32, minval=-s2, maxval=s2)
    return {"x": x, "edge_index": edge_index, "label_p": label_p, "cm": cm,
            "W1": W1, "b1": b1, "W2": W2, "b2": b2}


def _sage_conv(h, src, dst, W, b):
    # x = self.lin(x); out = propagate(edge_index, x=x) with aggr='mean'
    h = h @ W.T + b
    msg = jnp.take(h, src, axis=0)          # x_j gather
    s = jax.ops.segment_sum(msg, dst, num_segments=N_NODES)
    cnt = jax.ops.segment_sum(jnp.ones((msg.shape[0], 1), h.dtype), dst, num_segments=N_NODES)
    return s / jnp.clip(cnt, 1.0, None)     # scatter-mean (empty segments -> 0)


def reference(x, edge_index, label_p, cm, W1, b1, W2, b2):
    src = edge_index[0]
    dst = edge_index[1]
    # layer 1 (batch_norm=False, dropout=0.0, rsl=0.0)
    h = _sage_conv(x, src, dst, W1, b1)
    h = jax.nn.relu(h)
    # layer 2 (final, no activation)
    out = _sage_conv(h, src, dst, W2, b2)
    return out

if __name__ == "__main__":
    import jax
    _d = setup_inputs()
    print(jax.jit(kernel)(*tuple(_d.values())))

</pallas_src>

<mosaic_0001>
#map = affine_map<(d0, d1) -> (0, 0)>
#map1 = affine_map<(d0, d1) -> (0)>
#map2 = affine_map<(d0, d1) -> (0, 0, 0)>
module attributes {stable_mosaic.version = 14 : i64} {
  func.func @body(%arg0: i32, %arg1: i32, %arg2: memref<10000x128xf32, #tpu.memory_space<hbm>>, %arg3: memref<320000xi32, #tpu.memory_space<hbm>>, %arg4: memref<320000xi32, #tpu.memory_space<hbm>>, %arg5: memref<10240x128xf32, #tpu.memory_space<hbm>>, %arg6: memref<10240xf32, #tpu.memory_space<hbm>>, %arg7: memref<16xf32, #tpu.memory_space<hbm>>, %arg8: memref<2x10240x128xf32, #tpu.memory_space<hbm>>, %arg9: memref<2x16x10240xf32, #tpu.memory_space<hbm>>, %arg10: memref<10240x128xf32, #tpu.memory_space<vmem_shared>>, %arg11: memref<128xi32, #tpu.memory_space<vmem>>, %arg12: memref<128xi32, #tpu.memory_space<vmem>>, %arg13: memref<128xi32, #tpu.memory_space<vmem>>, %arg14: memref<128xi32, #tpu.memory_space<vmem>>, %arg15: memref<128x128xf32, #tpu.memory_space<vmem>>, %arg16: memref<128x128xf32, #tpu.memory_space<vmem>>, %arg17: memref<16xi32, #tpu.memory_space<vmem>>, %arg18: memref<16xi32, #tpu.memory_space<vmem>>, %arg19: memref<16x128xf32, #tpu.memory_space<vmem>>, %arg20: memref<!tpu.dma_semaphore, #tpu.memory_space<semaphore_mem>>, %arg21: memref<!tpu.dma_semaphore, #tpu.memory_space<semaphore_mem>>, %arg22: memref<10240xf32, #tpu.memory_space<vmem>>, %arg23: memref<16xf32, #tpu.memory_space<vmem>>) attributes {dimension_semantics = [#tpu.dimension_semantics<core_parallel>, #tpu.dimension_semantics<subcore_parallel>], iteration_bounds = array<i64: 2, 16>, scalar_prefetch = 0 : i64, scratch_operands = 14 : i64, tpu.core_type = #tpu.core_type<sc_vector_subcore>, window_params = [{transform_indices = #map}, {transform_indices = #map1}, {transform_indices = #map1}, {transform_indices = #map}, {transform_indices = #map1}, {transform_indices = #map1}, {transform_indices = #map2}, {transform_indices = #map2}]} {
    %mul3A = arith.constant 2 : i32
    %mul3A_0 = arith.muli %arg1, %mul3A : i32
    %add3A = arith.addi %mul3A_0, %arg0 : i32
    %mul3A_1 = arith.constant 640 : i32
    %mul3A_2 = arith.muli %arg1, %mul3A_1 : i32
    "tpu.region"() ({
      %run_scoped3A = tpu.sem_alloc : memref<!tpu.dma_semaphore, #tpu.memory_space<semaphore_mem>>
      %dma_start3A_20 = arith.constant 0 : i32
      %dma_start3A_21 = tpu.memref_slice %arg10[%mul3A_2, %dma_start3A_20] : memref<10240x128xf32, #tpu.memory_space<vmem_shared>> -> memref<640x128xf32, #tpu.memory_space<vmem_shared>>
      %dma_start3A_22 = arith.constant 0 : i32
      %dma_start3A_23 = tpu.memref_slice %arg5[%mul3A_2, %dma_start3A_22] : memref<10240x128xf32, #tpu.memory_space<hbm>> -> memref<640x128xf32, #tpu.memory_space<hbm>>
      tpu.enqueue_dma source(%dma_start3A_23 : memref<640x128xf32, #tpu.memory_space<hbm>>) target(%dma_start3A_21 : memref<640x128xf32, #tpu.memory_space<vmem_shared>>) target_semaphore(%run_scoped3A : memref<!tpu.dma_semaphore, #tpu.memory_space<semaphore_mem>>)
      %dma_wait3A_24 = arith.constant 0 : i32
      %dma_wait3A_25 = tpu.memref_slice %arg10[%mul3A_2, %dma_wait3A_24] : memref<10240x128xf32, #tpu.memory_space<vmem_shared>> -> memref<640x128xf32, #tpu.memory_space<vmem_shared>>
      %dma_wait3A_26 = arith.constant 0 : i32
      %dma_wait3A_27 = tpu.memref_slice %arg5[%mul3A_2, %dma_wait3A_26] : memref<10240x128xf32, #tpu.memory_space<hbm>> -> memref<640x128xf32, #tpu.memory_space<hbm>>
      tpu.wait_dma2 semaphore(%run_scoped3A : memref<!tpu.dma_semaphore, #tpu.memory_space<semaphore_mem>>) src(%dma_wait3A_27 : memref<640x128xf32, #tpu.memory_space<hbm>>) dst(%dma_wait3A_25 : memref<640x128xf32, #tpu.memory_space<vmem_shared>>)
      tpu.yield
    }) : () -> ()
    "tpu.region"() ({
      %run_scoped3A = tpu.sem_alloc : memref<!tpu.dma_semaphore, #tpu.memory_space<semaphore_mem>>
      tpu.enqueue_dma source(%arg6 : memref<10240xf32, #tpu.memory_space<hbm>>) target(%arg22 : memref<10240xf32, #tpu.memory_space<vmem>>) target_semaphore(%run_scoped3A : memref<!tpu.dma_semaphore, #tpu.memory_space<semaphore_mem>>)
      tpu.wait_dma2 semaphore(%run_scoped3A : memref<!tpu.dma_semaphore, #tpu.memory_space<semaphore_mem>>) src(%arg6 : memref<10240xf32, #tpu.memory_space<hbm>>) dst(%arg22 : memref<10240xf32, #tpu.memory_space<vmem>>)
      tpu.yield
    }) : () -> ()
    "tpu.region"() ({
      %run_scoped3A = tpu.sem_alloc : memref<!tpu.dma_semaphore, #tpu.memory_space<semaphore_mem>>
      tpu.enqueue_dma source(%arg7 : memref<16xf32, #tpu.memory_space<hbm>>) target(%arg23 : memref<16xf32, #tpu.memory_space<vmem>>) target_semaphore(%run_scoped3A : memref<!tpu.dma_semaphore, #tpu.memory_space<semaphore_mem>>)
      tpu.wait_dma2 semaphore(%run_scoped3A : memref<!tpu.dma_semaphore, #tpu.memory_space<semaphore_mem>>) src(%arg7 : memref<16xf32, #tpu.memory_space<hbm>>) dst(%arg23 : memref<16xf32, #tpu.memory_space<vmem>>)
      tpu.yield
    }) : () -> ()
    %barrier3A = arith.constant 0 : index
    tpu.barrier barrier_id(%barrier3A)
    %mul3A_3 = arith.constant 10000 : i32
    %mul3A_4 = arith.muli %add3A, %mul3A_3 : i32
    %scan3A = arith.constant 0 : i32
    %scan3A_5 = arith.constant 0 : i32
    %scan3A_6 = arith.constant 39 : i32
    %scan3A_7 = arith.addi %scan3A_5, %scan3A_6 : i32
    %scan3A_8 = arith.constant 1 : i32
    scf.for %scan3A_20 = %scan3A_5 to %scan3A_7 step %scan3A_8  : i32 {
      %mul3A_21 = arith.constant 2 : i32
      %mul3A_22 = arith.muli %mul3A_21, %scan3A_20 : i32
      %mul3A_23 = arith.constant 128 : i32
      %mul3A_24 = arith.muli %mul3A_22, %mul3A_23 : i32
      %add3A_25 = arith.addi %mul3A_4, %mul3A_24 : i32
      %multiple_of3A_26 = tpu.assume_multiple %add3A_25, 8 : i32
      "tpu.region"() ({
        %run_scoped3A = tpu.sem_alloc : memref<!tpu.dma_semaphore, #tpu.memory_space<semaphore_mem>>
        %dma_start3A_79 = tpu.memref_slice %arg3[%multiple_of3A_26] : memref<320000xi32, #tpu.memory_space<hbm>> -> memref<128xi32, #tpu.memory_space<hbm>>
        %dma_start3A_80 = tpu.memref_slice %arg3[%multiple_of3A_26] : memref<320000xi32, #tpu.memory_space<hbm>> -> memref<128xi32, #tpu.memory_space<hbm>>
        tpu.enqueue_dma source(%dma_start3A_80 : memref<128xi32, #tpu.memory_space<hbm>>) target(%arg11 : memref<128xi32, #tpu.memory_space<vmem>>) target_semaphore(%run_scoped3A : memref<!tpu.dma_semaphore, #tpu.memory_space<semaphore_mem>>)
        %dma_wait3A_81 = tpu.memref_slice %arg3[%multiple_of3A_26] : memref<320000xi32, #tpu.memory_space<hbm>> -> memref<128xi32, #tpu.memory_space<hbm>>
        %dma_wait3A_82 = tpu.memref_slice %arg3[%multiple_of3A_26] : memref<320000xi32, #tpu.memory_space<hbm>> -> memref<128xi32, #tpu.memory_space<hbm>>
        tpu.wait_dma2 semaphore(%run_scoped3A : memref<!tpu.dma_semaphore, #tpu.memory_space<semaphore_mem>>) src(%dma_wait3A_82 : memref<128xi32, #tpu.memory_space<hbm>>) dst(%arg11 : memref<128xi32, #tpu.memory_space<vmem>>)
        tpu.yield
      }) : () -> ()
      "tpu.region"() ({
        %run_scoped3A = tpu.sem_alloc : memref<!tpu.dma_semaphore, #tpu.memory_space<semaphore_mem>>
        %dma_start3A_79 = tpu.memref_slice %arg4[%multiple_of3A_26] : memref<320000xi32, #tpu.memory_space<hbm>> -> memref<128xi32, #tpu.memory_space<hbm>>
        %dma_start3A_80 = tpu.memref_slice %arg4[%multiple_of3A_26] : memref<320000xi32, #tpu.memory_space<hbm>> -> memref<128xi32, #tpu.memory_space<hbm>>
        tpu.enqueue_dma source(%dma_start3A_80 : memref<128xi32, #tpu.memory_space<hbm>>) target(%arg12 : memref<128xi32, #tpu.memory_space<vmem>>) target_semaphore(%run_scoped3A : memref<!tpu.dma_semaphore, #tpu.memory_space<semaphore_mem>>)
        %dma_wait3A_81 = tpu.memref_slice %arg4[%multiple_of3A_26] : memref<320000xi32, #tpu.memory_space<hbm>> -> memref<128xi32, #tpu.memory_space<hbm>>
        %dma_wait3A_82 = tpu.memref_slice %arg4[%multiple_of3A_26] : memref<320000xi32, #tpu.memory_space<hbm>> -> memref<128xi32, #tpu.memory_space<hbm>>
        tpu.wait_dma2 semaphore(%run_scoped3A : memref<!tpu.dma_semaphore, #tpu.memory_space<semaphore_mem>>) src(%dma_wait3A_82 : memref<128xi32, #tpu.memory_space<hbm>>) dst(%arg12 : memref<128xi32, #tpu.memory_space<vmem>>)
        tpu.yield
      }) : () -> ()
      %dma_start3A_27 = arith.constant 0 : i32
      %dma_start3A_28 = arith.constant 0 : i32
      %dma_start3A_29 = tpu.memref_slice %arg2[%dma_start3A_27, %dma_start3A_28] : memref<10000x128xf32, #tpu.memory_space<hbm>> -> memref<10000x128xf32, #tpu.memory_space<hbm>>
      tpu.enqueue_indirect_dma source(%dma_start3A_29 : memref<10000x128xf32, #tpu.memory_space<hbm>>) target(%arg15 : memref<128x128xf32, #tpu.memory_space<vmem>>) offsets(%arg11 : memref<128xi32, #tpu.memory_space<vmem>>) semaphore(%arg20 : memref<!tpu.dma_semaphore, #tpu.memory_space<semaphore_mem>>)
      %add3A_30 = arith.constant 128 : i32
      %add3A_31 = arith.addi %multiple_of3A_26, %add3A_30 : i32
      "tpu.region"() ({
        %run_scoped3A = tpu.sem_alloc : memref<!tpu.dma_semaphore, #tpu.memory_space<semaphore_mem>>
        %dma_start3A_79 = tpu.memref_slice %arg3[%add3A_31] : memref<320000xi32, #tpu.memory_space<hbm>> -> memref<128xi32, #tpu.memory_space<hbm>>
        %dma_start3A_80 = tpu.memref_slice %arg3[%add3A_31] : memref<320000xi32, #tpu.memory_space<hbm>> -> memref<128xi32, #tpu.memory_space<hbm>>
        tpu.enqueue_dma source(%dma_start3A_80 : memref<128xi32, #tpu.memory_space<hbm>>) target(%arg13 : memref<128xi32, #tpu.memory_space<vmem>>) target_semaphore(%run_scoped3A : memref<!tpu.dma_semaphore, #tpu.memory_space<semaphore_mem>>)
        %dma_wait3A_81 = tpu.memref_slice %arg3[%add3A_31] : memref<320000xi32, #tpu.memory_space<hbm>> -> memref<128xi32, #tpu.memory_space<hbm>>
        %dma_wait3A_82 = tpu.memref_slice %arg3[%add3A_31] : memref<320000xi32, #tpu.memory_space<hbm>> -> memref<128xi32, #tpu.memory_space<hbm>>
        tpu.wait_dma2 semaphore(%run_scoped3A : memref<!tpu.dma_semaphore, #tpu.memory_space<semaphore_mem>>) src(%dma_wait3A_82 : memref<128xi32, #tpu.memory_space<hbm>>) dst(%arg13 : memref<128xi32, #tpu.memory_space<vmem>>)
        tpu.yield
      }) : () -> ()
      %add3A_32 = arith.constant 128 : i32
      %add3A_33 = arith.addi %multiple_of3A_26, %add3A_32 : i32
      "tpu.region"() ({
        %run_scoped3A = tpu.sem_alloc : memref<!tpu.dma_semaphore, #tpu.memory_space<semaphore_mem>>
        %dma_start3A_79 = tpu.memref_slice %arg4[%add3A_33] : memref<320000xi32, #tpu.memory_space<hbm>> -> memref<128xi32, #tpu.memory_space<hbm>>
        %dma_start3A_80 = tpu.memref_slice %arg4[%add3A_33] : memref<320000xi32, #tpu.memory_space<hbm>> -> memref<128xi32, #tpu.memory_space<hbm>>
        tpu.enqueue_dma source(%dma_start3A_80 : memref<128xi32, #tpu.memory_space<hbm>>) target(%arg14 : memref<128xi32, #tpu.memory_space<vmem>>) target_semaphore(%run_scoped3A : memref<!tpu.dma_semaphore, #tpu.memory_space<semaphore_mem>>)
        %dma_wait3A_81 = tpu.memref_slice %arg4[%add3A_33] : memref<320000xi32, #tpu.memory_space<hbm>> -> memref<128xi32, #tpu.memory_space<hbm>>
        %dma_wait3A_82 = tpu.memref_slice %arg4[%add3A_33] : memref<320000xi32, #tpu.memory_space<hbm>> -> memref<128xi32, #tpu.memory_space<hbm>>
        tpu.wait_dma2 semaphore(%run_scoped3A : memref<!tpu.dma_semaphore, #tpu.memory_space<semaphore_mem>>) src(%dma_wait3A_82 : memref<128xi32, #tpu.memory_space<hbm>>) dst(%arg14 : memref<128xi32, #tpu.memory_space<vmem>>)
        tpu.yield
      }) : () -> ()
      %dma_start3A_34 = arith.constant 0 : i32
      %dma_start3A_35 = arith.constant 0 : i32
      %dma_start3A_36 = tpu.memref_slice %arg2[%dma_start3A_34, %dma_start3A_35] : memref<10000x128xf32, #tpu.memory_space<hbm>> -> memref<10000x128xf32, #tpu.memory_space<hbm>>
      tpu.enqueue_indirect_dma source(%dma_start3A_36 : memref<10000x128xf32, #tpu.memory_space<hbm>>) target(%arg16 : memref<128x128xf32, #tpu.memory_space<vmem>>) offsets(%arg13 : memref<128xi32, #tpu.memory_space<vmem>>) semaphore(%arg21 : memref<!tpu.dma_semaphore, #tpu.memory_space<semaphore_mem>>)
      %dma_wait3A_37 = arith.constant 0 : i32
      %dma_wait3A_38 = arith.constant 0 : i32
      %dma_wait3A_39 = tpu.memref_slice %arg2[%dma_wait3A_37, %dma_wait3A_38] : memref<10000x128xf32, #tpu.memory_space<hbm>> -> memref<10000x128xf32, #tpu.memory_space<hbm>>
      tpu.wait_indirect_dma semaphore(%arg20 : memref<!tpu.dma_semaphore, #tpu.memory_space<semaphore_mem>>) src(%dma_wait3A_39 : memref<10000x128xf32, #tpu.memory_space<hbm>>) dst(%arg15 : memref<128x128xf32, #tpu.memory_space<vmem>>)
      "tpu.region"() ({
        %run_scoped3A = tpu.sem_alloc : memref<!tpu.dma_semaphore, #tpu.memory_space<semaphore_mem>>
        %dma_start3A_79 = arith.constant 0 : i32
        %dma_start3A_80 = arith.constant 0 : i32
        %dma_start3A_81 = tpu.memref_slice %arg10[%dma_start3A_79, %dma_start3A_80] : memref<10240x128xf32, #tpu.memory_space<vmem_shared>> -> memref<10240x128xf32, #tpu.memory_space<vmem_shared>>
        tpu.enqueue_indirect_dma source(%arg15 : memref<128x128xf32, #tpu.memory_space<vmem>>) target(%dma_start3A_81 : memref<10240x128xf32, #tpu.memory_space<vmem_shared>>) offsets(%arg12 : memref<128xi32, #tpu.memory_space<vmem>>) semaphore(%run_scoped3A : memref<!tpu.dma_semaphore, #tpu.memory_space<semaphore_mem>>) {add = true}
        %dma_wait3A_82 = arith.constant 0 : i32
        %dma_wait3A_83 = arith.constant 0 : i32
        %dma_wait3A_84 = tpu.memref_slice %arg10[%dma_wait3A_82, %dma_wait3A_83] : memref<10240x128xf32, #tpu.memory_space<vmem_shared>> -> memref<10240x128xf32, #tpu.memory_space<vmem_shared>>
        tpu.wait_indirect_dma semaphore(%run_scoped3A : memref<!tpu.dma_semaphore, #tpu.memory_space<semaphore_mem>>) src(%arg15 : memref<128x128xf32, #tpu.memory_space<vmem>>) dst(%dma_wait3A_84 : memref<10240x128xf32, #tpu.memory_space<vmem_shared>>)
        tpu.yield
      }) : () -> ()
      %get3A_40 = arith.constant 0 : index
      %get3A_41 = tpu.vector_load %arg23[%get3A_40] {strides = array<i32>} : memref<16xf32, #tpu.memory_space<vmem>>, vector<16xf32>,
      %get3A_42 = arith.constant 0 : index
      %get3A_43 = tpu.vector_load %arg12[%get3A_42] {strides = array<i32>} : memref<128xi32, #tpu.memory_space<vmem>>, vector<16xi32>,
      tpu.vector_store_idx %arg22[%get3A_43], %get3A_41 {add = true} : memref<10240xf32, #tpu.memory_space<vmem>>[vector<16xi32>], vector<16xf32>,
      %get3A_44 = arith.constant 16 : index
      %get3A_45 = tpu.vector_load %arg12[%get3A_44] {strides = array<i32>} : memref<128xi32, #tpu.memory_space<vmem>>, vector<16xi32>,
      tpu.vector_store_idx %arg22[%get3A_45], %get3A_41 {add = true} : memref<10240xf32, #tpu.memory_space<vmem>>[vector<16xi32>], vector<16xf32>,
      %get3A_46 = arith.constant 32 : index
      %get3A_47 = tpu.vector_load %arg12[%get3A_46] {strides = array<i32>} : memref<128xi32, #tpu.memory_space<vmem>>, vector<16xi32>,
      tpu.vector_store_idx %arg22[%get3A_47], %get3A_41 {add = true} : memref<10240xf32, #tpu.memory_space<vmem>>[vector<16xi32>], vector<16xf32>,
      %get3A_48 = arith.constant 48 : index
      %get3A_49 = tpu.vector_load %arg12[%get3A_48] {strides = array<i32>} : memref<128xi32, #tpu.memory_space<vmem>>, vector<16xi32>,
      tpu.vector_store_idx %arg22[%get3A_49], %get3A_41 {add = true} : memref<10240xf32, #tpu.memory_space<vmem>>[vector<16xi32>], vector<16xf32>,
      %get3A_50 = arith.constant 64 : index
      %get3A_51 = tpu.vector_load %arg12[%get3A_50] {strides = array<i32>} : memref<128xi32, #tpu.memory_space<vmem>>, vector<16xi32>,
      tpu.vector_store_idx %arg22[%get3A_51], %get3A_41 {add = true} : memref<10240xf32, #tpu.memory_space<vmem>>[vector<16xi32>], vector<16xf32>,
      %get3A_52 = arith.constant 80 : index
      %get3A_53 = tpu.vector_load %arg12[%get3A_52] {strides = array<i32>} : memref<128xi32, #tpu.memory_space<vmem>>, vector<16xi32>,
      tpu.vector_store_idx %arg22[%get3A_53], %get3A_41 {add = true} : memref<10240xf32, #tpu.memory_space<vmem>>[vector<16xi32>], vector<16xf32>,
      %get3A_54 = arith.constant 96 : index
      %get3A_55 = tpu.vector_load %arg12[%get3A_54] {strides = array<i32>} : memref<128xi32, #tpu.memory_space<vmem>>, vector<16xi32>,
      tpu.vector_store_idx %arg22[%get3A_55], %get3A_41 {add = true} : memref<10240xf32, #tpu.memory_space<vmem>>[vector<16xi32>], vector<16xf32>,
      %get3A_56 = arith.constant 112 : index
      %get3A_57 = tpu.vector_load %arg12[%get3A_56] {strides = array<i32>} : memref<128xi32, #tpu.memory_space<vmem>>, vector<16xi32>,
      tpu.vector_store_idx %arg22[%get3A_57], %get3A_41 {add = true} : memref<10240xf32, #tpu.memory_space<vmem>>[vector<16xi32>], vector<16xf32>,
      %dma_wait3A_58 = arith.constant 0 : i32
      %dma_wait3A_59 = arith.constant 0 : i32
      %dma_wait3A_60 = tpu.memref_slice %arg2[%dma_wait3A_58, %dma_wait3A_59] : memref<10000x128xf32, #tpu.memory_space<hbm>> -> memref<10000x128xf32, #tpu.memory_space<hbm>>
      tpu.wait_indirect_dma semaphore(%arg21 : memref<!tpu.dma_semaphore, #tpu.memory_space<semaphore_mem>>) src(%dma_wait3A_60 : memref<10000x128xf32, #tpu.memory_space<hbm>>) dst(%arg16 : memref<128x128xf32, #tpu.memory_space<vmem>>)
      "tpu.region"() ({
        %run_scoped3A = tpu.sem_alloc : memref<!tpu.dma_semaphore, #tpu.memory_space<semaphore_mem>>
        %dma_start3A_79 = arith.constant 0 : i32
        %dma_start3A_80 = arith.constant 0 : i32
        %dma_start3A_81 = tpu.memref_slice %arg10[%dma_start3A_79, %dma_start3A_80] : memref<10240x128xf32, #tpu.memory_space<vmem_shared>> -> memref<10240x128xf32, #tpu.memory_space<vmem_shared>>
        tpu.enqueue_indirect_dma source(%arg16 : memref<128x128xf32, #tpu.memory_space<vmem>>) target(%dma_start3A_81 : memref<10240x128xf32, #tpu.memory_space<vmem_shared>>) offsets(%arg14 : memref<128xi32, #tpu.memory_space<vmem>>) semaphore(%run_scoped3A : memref<!tpu.dma_semaphore, #tpu.memory_space<semaphore_mem>>) {add = true}
        %dma_wait3A_82 = arith.constant 0 : i32
        %dma_wait3A_83 = arith.constant 0 : i32
        %dma_wait3A_84 = tpu.memref_slice %arg10[%dma_wait3A_82, %dma_wait3A_83] : memref<10240x128xf32, #tpu.memory_space<vmem_shared>> -> memref<10240x128xf32, #tpu.memory_space<vmem_shared>>
        tpu.wait_indirect_dma semaphore(%run_scoped3A : memref<!tpu.dma_semaphore, #tpu.memory_space<semaphore_mem>>) src(%arg16 : memref<128x128xf32, #tpu.memory_space<vmem>>) dst(%dma_wait3A_84 : memref<10240x128xf32, #tpu.memory_space<vmem_shared>>)
        tpu.yield
      }) : () -> ()
      %get3A_61 = arith.constant 0 : index
      %get3A_62 = tpu.vector_load %arg23[%get3A_61] {strides = array<i32>} : memref<16xf32, #tpu.memory_space<vmem>>, vector<16xf32>,
      %get3A_63 = arith.constant 0 : index
      %get3A_64 = tpu.vector_load %arg14[%get3A_63] {strides = array<i32>} : memref<128xi32, #tpu.memory_space<vmem>>, vector<16xi32>,
      tpu.vector_store_idx %arg22[%get3A_64], %get3A_62 {add = true} : memref<10240xf32, #tpu.memory_space<vmem>>[vector<16xi32>], vector<16xf32>,
      %get3A_65 = arith.constant 16 : index
      %get3A_66 = tpu.vector_load %arg14[%get3A_65] {strides = array<i32>} : memref<128xi32, #tpu.memory_space<vmem>>, vector<16xi32>,
      tpu.vector_store_idx %arg22[%get3A_66], %get3A_62 {add = true} : memref<10240xf32, #tpu.memory_space<vmem>>[vector<16xi32>], vector<16xf32>,
      %get3A_67 = arith.constant 32 : index
      %get3A_68 = tpu.vector_load %arg14[%get3A_67] {strides = array<i32>} : memref<128xi32, #tpu.memory_space<vmem>>, vector<16xi32>,
      tpu.vector_store_idx %arg22[%get3A_68], %get3A_62 {add = true} : memref<10240xf32, #tpu.memory_space<vmem>>[vector<16xi32>], vector<16xf32>,
      %get3A_69 = arith.constant 48 : index
      %get3A_70 = tpu.vector_load %arg14[%get3A_69] {strides = array<i32>} : memref<128xi32, #tpu.memory_space<vmem>>, vector<16xi32>,
      tpu.vector_store_idx %arg22[%get3A_70], %get3A_62 {add = true} : memref<10240xf32, #tpu.memory_space<vmem>>[vector<16xi32>], vector<16xf32>,
      %get3A_71 = arith.constant 64 : index
      %get3A_72 = tpu.vector_load %arg14[%get3A_71] {strides = array<i32>} : memref<128xi32, #tpu.memory_space<vmem>>, vector<16xi32>,
      tpu.vector_store_idx %arg22[%get3A_72], %get3A_62 {add = true} : memref<10240xf32, #tpu.memory_space<vmem>>[vector<16xi32>], vector<16xf32>,
      %get3A_73 = arith.constant 80 : index
      %get3A_74 = tpu.vector_load %arg14[%get3A_73] {strides = array<i32>} : memref<128xi32, #tpu.memory_space<vmem>>, vector<16xi32>,
      tpu.vector_store_idx %arg22[%get3A_74], %get3A_62 {add = true} : memref<10240xf32, #tpu.memory_space<vmem>>[vector<16xi32>], vector<16xf32>,
      %get3A_75 = arith.constant 96 : index
      %get3A_76 = tpu.vector_load %arg14[%get3A_75] {strides = array<i32>} : memref<128xi32, #tpu.memory_space<vmem>>, vector<16xi32>,
      tpu.vector_store_idx %arg22[%get3A_76], %get3A_62 {add = true} : memref<10240xf32, #tpu.memory_space<vmem>>[vector<16xi32>], vector<16xf32>,
      %get3A_77 = arith.constant 112 : index
      %get3A_78 = tpu.vector_load %arg14[%get3A_77] {strides = array<i32>} : memref<128xi32, #tpu.memory_space<vmem>>, vector<16xi32>,
      tpu.vector_store_idx %arg22[%get3A_78], %get3A_62 {add = true} : memref<10240xf32, #tpu.memory_space<vmem>>[vector<16xi32>], vector<16xf32>,
    }
    %scan3A_9 = arith.constant 39 : i32
    %add3A_10 = arith.constant 9984 : i32
    %add3A_11 = arith.addi %mul3A_4, %add3A_10 : i32
    %multiple_of3A = tpu.assume_multiple %add3A_11, 8 : i32
    "tpu.region"() ({
      %run_scoped3A = tpu.sem_alloc : memref<!tpu.dma_semaphore, #tpu.memory_space<semaphore_mem>>
      %dma_start3A_20 = tpu.memref_slice %arg3[%multiple_of3A] : memref<320000xi32, #tpu.memory_space<hbm>> -> memref<16xi32, #tpu.memory_space<hbm>>
      %dma_start3A_21 = tpu.memref_slice %arg3[%multiple_of3A] : memref<320000xi32, #tpu.memory_space<hbm>> -> memref<16xi32, #tpu.memory_space<hbm>>
      tpu.enqueue_dma source(%dma_start3A_21 : memref<16xi32, #tpu.memory_space<hbm>>) target(%arg17 : memref<16xi32, #tpu.memory_space<vmem>>) target_semaphore(%run_scoped3A : memref<!tpu.dma_semaphore, #tpu.memory_space<semaphore_mem>>)
      %dma_wait3A_22 = tpu.memref_slice %arg3[%multiple_of3A] : memref<320000xi32, #tpu.memory_space<hbm>> -> memref<16xi32, #tpu.memory_space<hbm>>
      %dma_wait3A_23 = tpu.memref_slice %arg3[%multiple_of3A] : memref<320000xi32, #tpu.memory_space<hbm>> -> memref<16xi32, #tpu.memory_space<hbm>>
      tpu.wait_dma2 semaphore(%run_scoped3A : memref<!tpu.dma_semaphore, #tpu.memory_space<semaphore_mem>>) src(%dma_wait3A_23 : memref<16xi32, #tpu.memory_space<hbm>>) dst(%arg17 : memref<16xi32, #tpu.memory_space<vmem>>)
      tpu.yield
    }) : () -> ()
    "tpu.region"() ({
      %run_scoped3A = tpu.sem_alloc : memref<!tpu.dma_semaphore, #tpu.memory_space<semaphore_mem>>
      %dma_start3A_20 = tpu.memref_slice %arg4[%multiple_of3A] : memref<320000xi32, #tpu.memory_space<hbm>> -> memref<16xi32, #tpu.memory_space<hbm>>
      %dma_start3A_21 = tpu.memref_slice %arg4[%multiple_of3A] : memref<320000xi32, #tpu.memory_space<hbm>> -> memref<16xi32, #tpu.memory_space<hbm>>
      tpu.enqueue_dma source(%dma_start3A_21 : memref<16xi32, #tpu.memory_space<hbm>>) target(%arg18 : memref<16xi32, #tpu.memory_space<vmem>>) target_semaphore(%run_scoped3A : memref<!tpu.dma_semaphore, #tpu.memory_space<semaphore_mem>>)
      %dma_wait3A_22 = tpu.memref_slice %arg4[%multiple_of3A] : memref<320000xi32, #tpu.memory_space<hbm>> -> memref<16xi32, #tpu.memory_space<hbm>>
      %dma_wait3A_23 = tpu.memref_slice %arg4[%multiple_of3A] : memref<320000xi32, #tpu.memory_space<hbm>> -> memref<16xi32, #tpu.memory_space<hbm>>
      tpu.wait_dma2 semaphore(%run_scoped3A : memref<!tpu.dma_semaphore, #tpu.memory_space<semaphore_mem>>) src(%dma_wait3A_23 : memref<16xi32, #tpu.memory_space<hbm>>) dst(%arg18 : memref<16xi32, #tpu.memory_space<vmem>>)
      tpu.yield
    }) : () -> ()
    %dma_start3A = arith.constant 0 : i32
    %dma_start3A_12 = arith.constant 0 : i32
    %dma_start3A_13 = tpu.memref_slice %arg2[%dma_start3A, %dma_start3A_12] : memref<10000x128xf32, #tpu.memory_space<hbm>> -> memref<10000x128xf32, #tpu.memory_space<hbm>>
    tpu.enqueue_indirect_dma source(%dma_start3A_13 : memref<10000x128xf32, #tpu.memory_space<hbm>>) target(%arg19 : memref<16x128xf32, #tpu.memory_space<vmem>>) offsets(%arg17 : memref<16xi32, #tpu.memory_space<vmem>>) semaphore(%arg20 : memref<!tpu.dma_semaphore, #tpu.memory_space<semaphore_mem>>)
    %dma_wait3A = arith.constant 0 : i32
    %dma_wait3A_14 = arith.constant 0 : i32
    %dma_wait3A_15 = tpu.memref_slice %arg2[%dma_wait3A, %dma_wait3A_14] : memref<10000x128xf32, #tpu.memory_space<hbm>> -> memref<10000x128xf32, #tpu.memory_space<hbm>>
    tpu.wait_indirect_dma semaphore(%arg20 : memref<!tpu.dma_semaphore, #tpu.memory_space<semaphore_mem>>) src(%dma_wait3A_15 : memref<10000x128xf32, #tpu.memory_space<hbm>>) dst(%arg19 : memref<16x128xf32, #tpu.memory_space<vmem>>)
    "tpu.region"() ({
      %run_scoped3A = tpu.sem_alloc : memref<!tpu.dma_semaphore, #tpu.memory_space<semaphore_mem>>
      %dma_start3A_20 = arith.constant 0 : i32
      %dma_start3A_21 = arith.constant 0 : i32
      %dma_start3A_22 = tpu.memref_slice %arg10[%dma_start3A_20, %dma_start3A_21] : memref<10240x128xf32, #tpu.memory_space<vmem_shared>> -> memref<10240x128xf32, #tpu.memory_space<vmem_shared>>
      tpu.enqueue_indirect_dma source(%arg19 : memref<16x128xf32, #tpu.memory_space<vmem>>) target(%dma_start3A_22 : memref<10240x128xf32, #tpu.memory_space<vmem_shared>>) offsets(%arg18 : memref<16xi32, #tpu.memory_space<vmem>>) semaphore(%run_scoped3A : memref<!tpu.dma_semaphore, #tpu.memory_space<semaphore_mem>>) {add = true}
      %dma_wait3A_23 = arith.constant 0 : i32
      %dma_wait3A_24 = arith.constant 0 : i32
      %dma_wait3A_25 = tpu.memref_slice %arg10[%dma_wait3A_23, %dma_wait3A_24] : memref<10240x128xf32, #tpu.memory_space<vmem_shared>> -> memref<10240x128xf32, #tpu.memory_space<vmem_shared>>
      tpu.wait_indirect_dma semaphore(%run_scoped3A : memref<!tpu.dma_semaphore, #tpu.memory_space<semaphore_mem>>) src(%arg19 : memref<16x128xf32, #tpu.memory_space<vmem>>) dst(%dma_wait3A_25 : memref<10240x128xf32, #tpu.memory_space<vmem_shared>>)
      tpu.yield
    }) : () -> ()
    %get3A = arith.constant 0 : index
    %get3A_16 = tpu.vector_load %arg18[%get3A] {strides = array<i32>} : memref<16xi32, #tpu.memory_space<vmem>>, vector<16xi32>,
    %get3A_17 = arith.constant 0 : index
    %get3A_18 = tpu.vector_load %arg23[%get3A_17] {strides = array<i32>} : memref<16xf32, #tpu.memory_space<vmem>>, vector<16xf32>,
    tpu.vector_store_idx %arg22[%get3A_16], %get3A_18 {add = true} : memref<10240xf32, #tpu.memory_space<vmem>>[vector<16xi32>], vector<16xf32>,
    %barrier3A_19 = arith.constant 0 : index
    tpu.barrier barrier_id(%barrier3A_19)
    "tpu.region"() ({
      %run_scoped3A = tpu.sem_alloc : memref<!tpu.dma_semaphore, #tpu.memory_space<semaphore_mem>>
      %dma_start3A_20 = arith.constant 0 : i32
      %dma_start3A_21 = tpu.memref_slice %arg8[%arg0, %mul3A_2, %dma_start3A_20] : memref<2x10240x128xf32, #tpu.memory_space<hbm>> -> memref<1x640x128xf32, #tpu.memory_space<hbm>>
      %dma_start3A_22 = tpu.memref_squeeze %dma_start3A_21 : memref<1x640x128xf32, #tpu.memory_space<hbm>> -> memref<640x128xf32, #tpu.memory_space<hbm>>
      %dma_start3A_23 = arith.constant 0 : i32
      %dma_start3A_24 = tpu.memref_slice %arg10[%mul3A_2, %dma_start3A_23] : memref<10240x128xf32, #tpu.memory_space<vmem_shared>> -> memref<640x128xf32, #tpu.memory_space<vmem_shared>>
      tpu.enqueue_dma source(%dma_start3A_24 : memref<640x128xf32, #tpu.memory_space<vmem_shared>>) target(%dma_start3A_22 : memref<640x128xf32, #tpu.memory_space<hbm>>) target_semaphore(%run_scoped3A : memref<!tpu.dma_semaphore, #tpu.memory_space<semaphore_mem>>)
      %dma_wait3A_25 = arith.constant 0 : i32
      %dma_wait3A_26 = tpu.memref_slice %arg8[%arg0, %mul3A_2, %dma_wait3A_25] : memref<2x10240x128xf32, #tpu.memory_space<hbm>> -> memref<1x640x128xf32, #tpu.memory_space<hbm>>
      %dma_wait3A_27 = tpu.memref_squeeze %dma_wait3A_26 : memref<1x640x128xf32, #tpu.memory_space<hbm>> -> memref<640x128xf32, #tpu.memory_space<hbm>>
      %dma_wait3A_28 = arith.constant 0 : i32
      %dma_wait3A_29 = tpu.memref_slice %arg10[%mul3A_2, %dma_wait3A_28] : memref<10240x128xf32, #tpu.memory_space<vmem_shared>> -> memref<640x128xf32, #tpu.memory_space<vmem_shared>>
      tpu.wait_dma2 semaphore(%run_scoped3A : memref<!tpu.dma_semaphore, #tpu.memory_space<semaphore_mem>>) src(%dma_wait3A_29 : memref<640x128xf32, #tpu.memory_space<vmem_shared>>) dst(%dma_wait3A_27 : memref<640x128xf32, #tpu.memory_space<hbm>>)
      tpu.yield
    }) : () -> ()
    "tpu.region"() ({
      %run_scoped3A = tpu.sem_alloc : memref<!tpu.dma_semaphore, #tpu.memory_space<semaphore_mem>>
      %dma_start3A_20 = arith.constant 0 : i32
      %dma_start3A_21 = tpu.memref_slice %arg9[%arg0, %arg1, %dma_start3A_20] : memref<2x16x10240xf32, #tpu.memory_space<hbm>> -> memref<1x1x10240xf32, #tpu.memory_space<hbm>>
      %dma_start3A_22 = tpu.memref_squeeze %dma_start3A_21 : memref<1x1x10240xf32, #tpu.memory_space<hbm>> -> memref<10240xf32, #tpu.memory_space<hbm>>
      %dma_start3A_23 = arith.constant 0 : i32
      %dma_start3A_24 = tpu.memref_slice %arg9[%arg0, %arg1, %dma_start3A_23] : memref<2x16x10240xf32, #tpu.memory_space<hbm>> -> memref<1x1x10240xf32, #tpu.memory_space<hbm>>
      %dma_start3A_25 = tpu.memref_squeeze %dma_start3A_24 : memref<1x1x10240xf32, #tpu.memory_space<hbm>> -> memref<10240xf32, #tpu.memory_space<hbm>>
      tpu.enqueue_dma source(%arg22 : memref<10240xf32, #tpu.memory_space<vmem>>) target(%dma_start3A_25 : memref<10240xf32, #tpu.memory_space<hbm>>) target_semaphore(%run_scoped3A : memref<!tpu.dma_semaphore, #tpu.memory_space<semaphore_mem>>)
      %dma_wait3A_26 = arith.constant 0 : i32
      %dma_wait3A_27 = tpu.memref_slice %arg9[%arg0, %arg1, %dma_wait3A_26] : memref<2x16x10240xf32, #tpu.memory_space<hbm>> -> memref<1x1x10240xf32, #tpu.memory_space<hbm>>
      %dma_wait3A_28 = tpu.memref_squeeze %dma_wait3A_27 : memref<1x1x10240xf32, #tpu.memory_space<hbm>> -> memref<10240xf32, #tpu.memory_space<hbm>>
      %dma_wait3A_29 = arith.constant 0 : i32
      %dma_wait3A_30 = tpu.memref_slice %arg9[%arg0, %arg1, %dma_wait3A_29] : memref<2x16x10240xf32, #tpu.memory_space<hbm>> -> memref<1x1x10240xf32, #tpu.memory_space<hbm>>
      %dma_wait3A_31 = tpu.memref_squeeze %dma_wait3A_30 : memref<1x1x10240xf32, #tpu.memory_space<hbm>> -> memref<10240xf32, #tpu.memory_space<hbm>>
      tpu.wait_dma2 semaphore(%run_scoped3A : memref<!tpu.dma_semaphore, #tpu.memory_space<semaphore_mem>>) src(%arg22 : memref<10240xf32, #tpu.memory_space<vmem>>) dst(%dma_wait3A_31 : memref<10240xf32, #tpu.memory_space<hbm>>)
      tpu.yield
    }) : () -> ()
    return
  }
}

#map = affine_map<(d0, d1) -> (0, 0)>
#map1 = affine_map<(d0, d1) -> (0)>
#map2 = affine_map<(d0, d1) -> (0, 0, 0)>
module attributes {stable_mosaic.version = 14 : i64} {
  func.func @body(%arg0: i32, %arg1: i32, %arg2: memref<10240x128xf32, #tpu.memory_space<hbm>>, %arg3: memref<320000xi32, #tpu.memory_space<hbm>>, %arg4: memref<320000xi32, #tpu.memory_space<hbm>>, %arg5: memref<10240x128xf32, #tpu.memory_space<hbm>>, %arg6: memref<2x10240x128xf32, #tpu.memory_space<hbm>>, %arg7: memref<10240x128xf32, #tpu.memory_space<vmem_shared>>, %arg8: memref<128xi32, #tpu.memory_space<vmem>>, %arg9: memref<128xi32, #tpu.memory_space<vmem>>, %arg10: memref<128xi32, #tpu.memory_space<vmem>>, %arg11: memref<128xi32, #tpu.memory_space<vmem>>, %arg12: memref<128x128xf32, #tpu.memory_space<vmem>>, %arg13: memref<128x128xf32, #tpu.memory_space<vmem>>, %arg14: memref<16xi32, #tpu.memory_space<vmem>>, %arg15: memref<16xi32, #tpu.memory_space<vmem>>, %arg16: memref<16x128xf32, #tpu.memory_space<vmem>>, %arg17: memref<!tpu.dma_semaphore, #tpu.memory_space<semaphore_mem>>, %arg18: memref<!tpu.dma_semaphore, #tpu.memory_space<semaphore_mem>>) attributes {dimension_semantics = [#tpu.dimension_semantics<core_parallel>, #tpu.dimension_semantics<subcore_parallel>], iteration_bounds = array<i64: 2, 16>, scalar_prefetch = 0 : i64, scratch_operands = 12 : i64, tpu.core_type = #tpu.core_type<sc_vector_subcore>, window_params = [{transform_indices = #map}, {transform_indices = #map1}, {transform_indices = #map1}, {transform_indices = #map}, {transform_indices = #map2}]} {
    %mul3A = arith.constant 2 : i32
    %mul3A_0 = arith.muli %arg1, %mul3A : i32
    %add3A = arith.addi %mul3A_0, %arg0 : i32
    %mul3A_1 = arith.constant 640 : i32
    %mul3A_2 = arith.muli %arg1, %mul3A_1 : i32
    "tpu.region"() ({
      %run_scoped3A = tpu.sem_alloc : memref<!tpu.dma_semaphore, #tpu.memory_space<semaphore_mem>>
      %dma_start3A_17 = arith.constant 0 : i32
      %dma_start3A_18 = tpu.memref_slice %arg7[%mul3A_2, %dma_start3A_17] : memref<10240x128xf32, #tpu.memory_space<vmem_shared>> -> memref<640x128xf32, #tpu.memory_space<vmem_shared>>
      %dma_start3A_19 = arith.constant 0 : i32
      %dma_start3A_20 = tpu.memref_slice %arg5[%mul3A_2, %dma_start3A_19] : memref<10240x128xf32, #tpu.memory_space<hbm>> -> memref<640x128xf32, #tpu.memory_space<hbm>>
      tpu.enqueue_dma source(%dma_start3A_20 : memref<640x128xf32, #tpu.memory_space<hbm>>) target(%dma_start3A_18 : memref<640x128xf32, #tpu.memory_space<vmem_shared>>) target_semaphore(%run_scoped3A : memref<!tpu.dma_semaphore, #tpu.memory_space<semaphore_mem>>)
      %dma_wait3A_21 = arith.constant 0 : i32
      %dma_wait3A_22 = tpu.memref_slice %arg7[%mul3A_2, %dma_wait3A_21] : memref<10240x128xf32, #tpu.memory_space<vmem_shared>> -> memref<640x128xf32, #tpu.memory_space<vmem_shared>>
      %dma_wait3A_23 = arith.constant 0 : i32
      %dma_wait3A_24 = tpu.memref_slice %arg5[%mul3A_2, %dma_wait3A_23] : memref<10240x128xf32, #tpu.memory_space<hbm>> -> memref<640x128xf32, #tpu.memory_space<hbm>>
      tpu.wait_dma2 semaphore(%run_scoped3A : memref<!tpu.dma_semaphore, #tpu.memory_space<semaphore_mem>>) src(%dma_wait3A_24 : memref<640x128xf32, #tpu.memory_space<hbm>>) dst(%dma_wait3A_22 : memref<640x128xf32, #tpu.memory_space<vmem_shared>>)
      tpu.yield
    }) : () -> ()
    %barrier3A = arith.constant 0 : index
    tpu.barrier barrier_id(%barrier3A)
    %mul3A_3 = arith.constant 10000 : i32
    %mul3A_4 = arith.muli %add3A, %mul3A_3 : i32
    %scan3A = arith.constant 0 : i32
    %scan3A_5 = arith.constant 0 : i32
    %scan3A_6 = arith.constant 39 : i32
    %scan3A_7 = arith.addi %scan3A_5, %scan3A_6 : i32
    %scan3A_8 = arith.constant 1 : i32
    scf.for %scan3A_17 = %scan3A_5 to %scan3A_7 step %scan3A_8  : i32 {
      %mul3A_18 = arith.constant 2 : i32
      %mul3A_19 = arith.muli %mul3A_18, %scan3A_17 : i32
      %mul3A_20 = arith.constant 128 : i32
      %mul3A_21 = arith.muli %mul3A_19, %mul3A_20 : i32
      %add3A_22 = arith.addi %mul3A_4, %mul3A_21 : i32
      %multiple_of3A_23 = tpu.assume_multiple %add3A_22, 8 : i32
      "tpu.region"() ({
        %run_scoped3A = tpu.sem_alloc : memref<!tpu.dma_semaphore, #tpu.memory_space<semaphore_mem>>
        %dma_start3A_40 = tpu.memref_slice %arg3[%multiple_of3A_23] : memref<320000xi32, #tpu.memory_space<hbm>> -> memref<128xi32, #tpu.memory_space<hbm>>
        %dma_start3A_41 = tpu.memref_slice %arg3[%multiple_of3A_23] : memref<320000xi32, #tpu.memory_space<hbm>> -> memref<128xi32, #tpu.memory_space<hbm>>
        tpu.enqueue_dma source(%dma_start3A_41 : memref<128xi32, #tpu.memory_space<hbm>>) target(%arg8 : memref<128xi32, #tpu.memory_space<vmem>>) target_semaphore(%run_scoped3A : memref<!tpu.dma_semaphore, #tpu.memory_space<semaphore_mem>>)
        %dma_wait3A_42 = tpu.memref_slice %arg3[%multiple_of3A_23] : memref<320000xi32, #tpu.memory_space<hbm>> -> memref<128xi32, #tpu.memory_space<hbm>>
        %dma_wait3A_43 = tpu.memref_slice %arg3[%multiple_of3A_23] : memref<320000xi32, #tpu.memory_space<hbm>> -> memref<128xi32, #tpu.memory_space<hbm>>
        tpu.wait_dma2 semaphore(%run_scoped3A : memref<!tpu.dma_semaphore, #tpu.memory_space<semaphore_mem>>) src(%dma_wait3A_43 : memref<128xi32, #tpu.memory_space<hbm>>) dst(%arg8 : memref<128xi32, #tpu.memory_space<vmem>>)
        tpu.yield
      }) : () -> ()
      "tpu.region"() ({
        %run_scoped3A = tpu.sem_alloc : memref<!tpu.dma_semaphore, #tpu.memory_space<semaphore_mem>>
        %dma_start3A_40 = tpu.memref_slice %arg4[%multiple_of3A_23] : memref<320000xi32, #tpu.memory_space<hbm>> -> memref<128xi32, #tpu.memory_space<hbm>>
        %dma_start3A_41 = tpu.memref_slice %arg4[%multiple_of3A_23] : memref<320000xi32, #tpu.memory_space<hbm>> -> memref<128xi32, #tpu.memory_space<hbm>>
        tpu.enqueue_dma source(%dma_start3A_41 : memref<128xi32, #tpu.memory_space<hbm>>) target(%arg9 : memref<128xi32, #tpu.memory_space<vmem>>) target_semaphore(%run_scoped3A : memref<!tpu.dma_semaphore, #tpu.memory_space<semaphore_mem>>)
        %dma_wait3A_42 = tpu.memref_slice %arg4[%multiple_of3A_23] : memref<320000xi32, #tpu.memory_space<hbm>> -> memref<128xi32, #tpu.memory_space<hbm>>
        %dma_wait3A_43 = tpu.memref_slice %arg4[%multiple_of3A_23] : memref<320000xi32, #tpu.memory_space<hbm>> -> memref<128xi32, #tpu.memory_space<hbm>>
        tpu.wait_dma2 semaphore(%run_scoped3A : memref<!tpu.dma_semaphore, #tpu.memory_space<semaphore_mem>>) src(%dma_wait3A_43 : memref<128xi32, #tpu.memory_space<hbm>>) dst(%arg9 : memref<128xi32, #tpu.memory_space<vmem>>)
        tpu.yield
      }) : () -> ()
      %dma_start3A_24 = arith.constant 0 : i32
      %dma_start3A_25 = arith.constant 0 : i32
      %dma_start3A_26 = tpu.memref_slice %arg2[%dma_start3A_24, %dma_start3A_25] : memref<10240x128xf32, #tpu.memory_space<hbm>> -> memref<10240x128xf32, #tpu.memory_space<hbm>>
      tpu.enqueue_indirect_dma source(%dma_start3A_26 : memref<10240x128xf32, #tpu.memory_space<hbm>>) target(%arg12 : memref<128x128xf32, #tpu.memory_space<vmem>>) offsets(%arg8 : memref<128xi32, #tpu.memory_space<vmem>>) semaphore(%arg17 : memref<!tpu.dma_semaphore, #tpu.memory_space<semaphore_mem>>)
      %add3A_27 = arith.constant 128 : i32
      %add3A_28 = arith.addi %multiple_of3A_23, %add3A_27 : i32
      "tpu.region"() ({
        %run_scoped3A = tpu.sem_alloc : memref<!tpu.dma_semaphore, #tpu.memory_space<semaphore_mem>>
        %dma_start3A_40 = tpu.memref_slice %arg3[%add3A_28] : memref<320000xi32, #tpu.memory_space<hbm>> -> memref<128xi32, #tpu.memory_space<hbm>>
        %dma_start3A_41 = tpu.memref_slice %arg3[%add3A_28] : memref<320000xi32, #tpu.memory_space<hbm>> -> memref<128xi32, #tpu.memory_space<hbm>>
        tpu.enqueue_dma source(%dma_start3A_41 : memref<128xi32, #tpu.memory_space<hbm>>) target(%arg10 : memref<128xi32, #tpu.memory_space<vmem>>) target_semaphore(%run_scoped3A : memref<!tpu.dma_semaphore, #tpu.memory_space<semaphore_mem>>)
        %dma_wait3A_42 = tpu.memref_slice %arg3[%add3A_28] : memref<320000xi32, #tpu.memory_space<hbm>> -> memref<128xi32, #tpu.memory_space<hbm>>
        %dma_wait3A_43 = tpu.memref_slice %arg3[%add3A_28] : memref<320000xi32, #tpu.memory_space<hbm>> -> memref<128xi32, #tpu.memory_space<hbm>>
        tpu.wait_dma2 semaphore(%run_scoped3A : memref<!tpu.dma_semaphore, #tpu.memory_space<semaphore_mem>>) src(%dma_wait3A_43 : memref<128xi32, #tpu.memory_space<hbm>>) dst(%arg10 : memref<128xi32, #tpu.memory_space<vmem>>)
        tpu.yield
      }) : () -> ()
      %add3A_29 = arith.constant 128 : i32
      %add3A_30 = arith.addi %multiple_of3A_23, %add3A_29 : i32
      "tpu.region"() ({
        %run_scoped3A = tpu.sem_alloc : memref<!tpu.dma_semaphore, #tpu.memory_space<semaphore_mem>>
        %dma_start3A_40 = tpu.memref_slice %arg4[%add3A_30] : memref<320000xi32, #tpu.memory_space<hbm>> -> memref<128xi32, #tpu.memory_space<hbm>>
        %dma_start3A_41 = tpu.memref_slice %arg4[%add3A_30] : memref<320000xi32, #tpu.memory_space<hbm>> -> memref<128xi32, #tpu.memory_space<hbm>>
        tpu.enqueue_dma source(%dma_start3A_41 : memref<128xi32, #tpu.memory_space<hbm>>) target(%arg11 : memref<128xi32, #tpu.memory_space<vmem>>) target_semaphore(%run_scoped3A : memref<!tpu.dma_semaphore, #tpu.memory_space<semaphore_mem>>)
        %dma_wait3A_42 = tpu.memref_slice %arg4[%add3A_30] : memref<320000xi32, #tpu.memory_space<hbm>> -> memref<128xi32, #tpu.memory_space<hbm>>
        %dma_wait3A_43 = tpu.memref_slice %arg4[%add3A_30] : memref<320000xi32, #tpu.memory_space<hbm>> -> memref<128xi32, #tpu.memory_space<hbm>>
        tpu.wait_dma2 semaphore(%run_scoped3A : memref<!tpu.dma_semaphore, #tpu.memory_space<semaphore_mem>>) src(%dma_wait3A_43 : memref<128xi32, #tpu.memory_space<hbm>>) dst(%arg11 : memref<128xi32, #tpu.memory_space<vmem>>)
        tpu.yield
      }) : () -> ()
      %dma_start3A_31 = arith.constant 0 : i32
      %dma_start3A_32 = arith.constant 0 : i32
      %dma_start3A_33 = tpu.memref_slice %arg2[%dma_start3A_31, %dma_start3A_32] : memref<10240x128xf32, #tpu.memory_space<hbm>> -> memref<10240x128xf32, #tpu.memory_space<hbm>>
      tpu.enqueue_indirect_dma source(%dma_start3A_33 : memref<10240x128xf32, #tpu.memory_space<hbm>>) target(%arg13 : memref<128x128xf32, #tpu.memory_space<vmem>>) offsets(%arg10 : memref<128xi32, #tpu.memory_space<vmem>>) semaphore(%arg18 : memref<!tpu.dma_semaphore, #tpu.memory_space<semaphore_mem>>)
      %dma_wait3A_34 = arith.constant 0 : i32
      %dma_wait3A_35 = arith.constant 0 : i32
      %dma_wait3A_36 = tpu.memref_slice %arg2[%dma_wait3A_34, %dma_wait3A_35] : memref<10240x128xf32, #tpu.memory_space<hbm>> -> memref<10240x128xf32, #tpu.memory_space<hbm>>
      tpu.wait_indirect_dma semaphore(%arg17 : memref<!tpu.dma_semaphore, #tpu.memory_space<semaphore_mem>>) src(%dma_wait3A_36 : memref<10240x128xf32, #tpu.memory_space<hbm>>) dst(%arg12 : memref<128x128xf32, #tpu.memory_space<vmem>>)
      "tpu.region"() ({
        %run_scoped3A = tpu.sem_alloc : memref<!tpu.dma_semaphore, #tpu.memory_space<semaphore_mem>>
        %dma_start3A_40 = arith.constant 0 : i32
        %dma_start3A_41 = arith.constant 0 : i32
        %dma_start3A_42 = tpu.memref_slice %arg7[%dma_start3A_40, %dma_start3A_41] : memref<10240x128xf32, #tpu.memory_space<vmem_shared>> -> memref<10240x128xf32, #tpu.memory_space<vmem_shared>>
        tpu.enqueue_indirect_dma source(%arg12 : memref<128x128xf32, #tpu.memory_space<vmem>>) target(%dma_start3A_42 : memref<10240x128xf32, #tpu.memory_space<vmem_shared>>) offsets(%arg9 : memref<128xi32, #tpu.memory_space<vmem>>) semaphore(%run_scoped3A : memref<!tpu.dma_semaphore, #tpu.memory_space<semaphore_mem>>) {add = true}
        %dma_wait3A_43 = arith.constant 0 : i32
        %dma_wait3A_44 = arith.constant 0 : i32
        %dma_wait3A_45 = tpu.memref_slice %arg7[%dma_wait3A_43, %dma_wait3A_44] : memref<10240x128xf32, #tpu.memory_space<vmem_shared>> -> memref<10240x128xf32, #tpu.memory_space<vmem_shared>>
        tpu.wait_indirect_dma semaphore(%run_scoped3A : memref<!tpu.dma_semaphore, #tpu.memory_space<semaphore_mem>>) src(%arg12 : memref<128x128xf32, #tpu.memory_space<vmem>>) dst(%dma_wait3A_45 : memref<10240x128xf32, #tpu.memory_space<vmem_shared>>)
        tpu.yield
      }) : () -> ()
      %dma_wait3A_37 = arith.constant 0 : i32
      %dma_wait3A_38 = arith.constant 0 : i32
      %dma_wait3A_39 = tpu.memref_slice %arg2[%dma_wait3A_37, %dma_wait3A_38] : memref<10240x128xf32, #tpu.memory_space<hbm>> -> memref<10240x128xf32, #tpu.memory_space<hbm>>
      tpu.wait_indirect_dma semaphore(%arg18 : memref<!tpu.dma_semaphore, #tpu.memory_space<semaphore_mem>>) src(%dma_wait3A_39 : memref<10240x128xf32, #tpu.memory_space<hbm>>) dst(%arg13 : memref<128x128xf32, #tpu.memory_space<vmem>>)
      "tpu.region"() ({
        %run_scoped3A = tpu.sem_alloc : memref<!tpu.dma_semaphore, #tpu.memory_space<semaphore_mem>>
        %dma_start3A_40 = arith.constant 0 : i32
        %dma_start3A_41 = arith.constant 0 : i32
        %dma_start3A_42 = tpu.memref_slice %arg7[%dma_start3A_40, %dma_start3A_41] : memref<10240x128xf32, #tpu.memory_space<vmem_shared>> -> memref<10240x128xf32, #tpu.memory_space<vmem_shared>>
        tpu.enqueue_indirect_dma source(%arg13 : memref<128x128xf32, #tpu.memory_space<vmem>>) target(%dma_start3A_42 : memref<10240x128xf32, #tpu.memory_space<vmem_shared>>) offsets(%arg11 : memref<128xi32, #tpu.memory_space<vmem>>) semaphore(%run_scoped3A : memref<!tpu.dma_semaphore, #tpu.memory_space<semaphore_mem>>) {add = true}
        %dma_wait3A_43 = arith.constant 0 : i32
        %dma_wait3A_44 = arith.constant 0 : i32
        %dma_wait3A_45 = tpu.memref_slice %arg7[%dma_wait3A_43, %dma_wait3A_44] : memref<10240x128xf32, #tpu.memory_space<vmem_shared>> -> memref<10240x128xf32, #tpu.memory_space<vmem_shared>>
        tpu.wait_indirect_dma semaphore(%run_scoped3A : memref<!tpu.dma_semaphore, #tpu.memory_space<semaphore_mem>>) src(%arg13 : memref<128x128xf32, #tpu.memory_space<vmem>>) dst(%dma_wait3A_45 : memref<10240x128xf32, #tpu.memory_space<vmem_shared>>)
        tpu.yield
      }) : () -> ()
    }
    %scan3A_9 = arith.constant 39 : i32
    %add3A_10 = arith.constant 9984 : i32
    %add3A_11 = arith.addi %mul3A_4, %add3A_10 : i32
    %multiple_of3A = tpu.assume_multiple %add3A_11, 8 : i32
    "tpu.region"() ({
      %run_scoped3A = tpu.sem_alloc : memref<!tpu.dma_semaphore, #tpu.memory_space<semaphore_mem>>
      %dma_start3A_17 = tpu.memref_slice %arg3[%multiple_of3A] : memref<320000xi32, #tpu.memory_space<hbm>> -> memref<16xi32, #tpu.memory_space<hbm>>
      %dma_start3A_18 = tpu.memref_slice %arg3[%multiple_of3A] : memref<320000xi32, #tpu.memory_space<hbm>> -> memref<16xi32, #tpu.memory_space<hbm>>
      tpu.enqueue_dma source(%dma_start3A_18 : memref<16xi32, #tpu.memory_space<hbm>>) target(%arg14 : memref<16xi32, #tpu.memory_space<vmem>>) target_semaphore(%run_scoped3A : memref<!tpu.dma_semaphore, #tpu.memory_space<semaphore_mem>>)
      %dma_wait3A_19 = tpu.memref_slice %arg3[%multiple_of3A] : memref<320000xi32, #tpu.memory_space<hbm>> -> memref<16xi32, #tpu.memory_space<hbm>>
      %dma_wait3A_20 = tpu.memref_slice %arg3[%multiple_of3A] : memref<320000xi32, #tpu.memory_space<hbm>> -> memref<16xi32, #tpu.memory_space<hbm>>
      tpu.wait_dma2 semaphore(%run_scoped3A : memref<!tpu.dma_semaphore, #tpu.memory_space<semaphore_mem>>) src(%dma_wait3A_20 : memref<16xi32, #tpu.memory_space<hbm>>) dst(%arg14 : memref<16xi32, #tpu.memory_space<vmem>>)
      tpu.yield
    }) : () -> ()
    "tpu.region"() ({
      %run_scoped3A = tpu.sem_alloc : memref<!tpu.dma_semaphore, #tpu.memory_space<semaphore_mem>>
      %dma_start3A_17 = tpu.memref_slice %arg4[%multiple_of3A] : memref<320000xi32, #tpu.memory_space<hbm>> -> memref<16xi32, #tpu.memory_space<hbm>>
      %dma_start3A_18 = tpu.memref_slice %arg4[%multiple_of3A] : memref<320000xi32, #tpu.memory_space<hbm>> -> memref<16xi32, #tpu.memory_space<hbm>>
      tpu.enqueue_dma source(%dma_start3A_18 : memref<16xi32, #tpu.memory_space<hbm>>) target(%arg15 : memref<16xi32, #tpu.memory_space<vmem>>) target_semaphore(%run_scoped3A : memref<!tpu.dma_semaphore, #tpu.memory_space<semaphore_mem>>)
      %dma_wait3A_19 = tpu.memref_slice %arg4[%multiple_of3A] : memref<320000xi32, #tpu.memory_space<hbm>> -> memref<16xi32, #tpu.memory_space<hbm>>
      %dma_wait3A_20 = tpu.memref_slice %arg4[%multiple_of3A] : memref<320000xi32, #tpu.memory_space<hbm>> -> memref<16xi32, #tpu.memory_space<hbm>>
      tpu.wait_dma2 semaphore(%run_scoped3A : memref<!tpu.dma_semaphore, #tpu.memory_space<semaphore_mem>>) src(%dma_wait3A_20 : memref<16xi32, #tpu.memory_space<hbm>>) dst(%arg15 : memref<16xi32, #tpu.memory_space<vmem>>)
      tpu.yield
    }) : () -> ()
    %dma_start3A = arith.constant 0 : i32
    %dma_start3A_12 = arith.constant 0 : i32
    %dma_start3A_13 = tpu.memref_slice %arg2[%dma_start3A, %dma_start3A_12] : memref<10240x128xf32, #tpu.memory_space<hbm>> -> memref<10240x128xf32, #tpu.memory_space<hbm>>
    tpu.enqueue_indirect_dma source(%dma_start3A_13 : memref<10240x128xf32, #tpu.memory_space<hbm>>) target(%arg16 : memref<16x128xf32, #tpu.memory_space<vmem>>) offsets(%arg14 : memref<16xi32, #tpu.memory_space<vmem>>) semaphore(%arg17 : memref<!tpu.dma_semaphore, #tpu.memory_space<semaphore_mem>>)
    %dma_wait3A = arith.constant 0 : i32
    %dma_wait3A_14 = arith.constant 0 : i32
    %dma_wait3A_15 = tpu.memref_slice %arg2[%dma_wait3A, %dma_wait3A_14] : memref<10240x128xf32, #tpu.memory_space<hbm>> -> memref<10240x128xf32, #tpu.memory_space<hbm>>
    tpu.wait_indirect_dma semaphore(%arg17 : memref<!tpu.dma_semaphore, #tpu.memory_space<semaphore_mem>>) src(%dma_wait3A_15 : memref<10240x128xf32, #tpu.memory_space<hbm>>) dst(%arg16 : memref<16x128xf32, #tpu.memory_space<vmem>>)
    "tpu.region"() ({
      %run_scoped3A = tpu.sem_alloc : memref<!tpu.dma_semaphore, #tpu.memory_space<semaphore_mem>>
      %dma_start3A_17 = arith.constant 0 : i32
      %dma_start3A_18 = arith.constant 0 : i32
      %dma_start3A_19 = tpu.memref_slice %arg7[%dma_start3A_17, %dma_start3A_18] : memref<10240x128xf32, #tpu.memory_space<vmem_shared>> -> memref<10240x128xf32, #tpu.memory_space<vmem_shared>>
      tpu.enqueue_indirect_dma source(%arg16 : memref<16x128xf32, #tpu.memory_space<vmem>>) target(%dma_start3A_19 : memref<10240x128xf32, #tpu.memory_space<vmem_shared>>) offsets(%arg15 : memref<16xi32, #tpu.memory_space<vmem>>) semaphore(%run_scoped3A : memref<!tpu.dma_semaphore, #tpu.memory_space<semaphore_mem>>) {add = true}
      %dma_wait3A_20 = arith.constant 0 : i32
      %dma_wait3A_21 = arith.constant 0 : i32
      %dma_wait3A_22 = tpu.memref_slice %arg7[%dma_wait3A_20, %dma_wait3A_21] : memref<10240x128xf32, #tpu.memory_space<vmem_shared>> -> memref<10240x128xf32, #tpu.memory_space<vmem_shared>>
      tpu.wait_indirect_dma semaphore(%run_scoped3A : memref<!tpu.dma_semaphore, #tpu.memory_space<semaphore_mem>>) src(%arg16 : memref<16x128xf32, #tpu.memory_space<vmem>>) dst(%dma_wait3A_22 : memref<10240x128xf32, #tpu.memory_space<vmem_shared>>)
      tpu.yield
    }) : () -> ()
    %barrier3A_16 = arith.constant 0 : index
    tpu.barrier barrier_id(%barrier3A_16)
    "tpu.region"() ({
      %run_scoped3A = tpu.sem_alloc : memref<!tpu.dma_semaphore, #tpu.memory_space<semaphore_mem>>
      %dma_start3A_17 = arith.constant 0 : i32
      %dma_start3A_18 = tpu.memref_slice %arg6[%arg0, %mul3A_2, %dma_start3A_17] : memref<2x10240x128xf32, #tpu.memory_space<hbm>> -> memref<1x640x128xf32, #tpu.memory_space<hbm>>
      %dma_start3A_19 = tpu.memref_squeeze %dma_start3A_18 : memref<1x640x128xf32, #tpu.memory_space<hbm>> -> memref<640x128xf32, #tpu.memory_space<hbm>>
      %dma_start3A_20 = arith.constant 0 : i32
      %dma_start3A_21 = tpu.memref_slice %arg7[%mul3A_2, %dma_start3A_20] : memref<10240x128xf32, #tpu.memory_space<vmem_shared>> -> memref<640x128xf32, #tpu.memory_space<vmem_shared>>
      tpu.enqueue_dma source(%dma_start3A_21 : memref<640x128xf32, #tpu.memory_space<vmem_shared>>) target(%dma_start3A_19 : memref<640x128xf32, #tpu.memory_space<hbm>>) target_semaphore(%run_scoped3A : memref<!tpu.dma_semaphore, #tpu.memory_space<semaphore_mem>>)
      %dma_wait3A_22 = arith.constant 0 : i32
      %dma_wait3A_23 = tpu.memref_slice %arg6[%arg0, %mul3A_2, %dma_wait3A_22] : memref<2x10240x128xf32, #tpu.memory_space<hbm>> -> memref<1x640x128xf32, #tpu.memory_space<hbm>>
      %dma_wait3A_24 = tpu.memref_squeeze %dma_wait3A_23 : memref<1x640x128xf32, #tpu.memory_space<hbm>> -> memref<640x128xf32, #tpu.memory_space<hbm>>
      %dma_wait3A_25 = arith.constant 0 : i32
      %dma_wait3A_26 = tpu.memref_slice %arg7[%mul3A_2, %dma_wait3A_25] : memref<10240x128xf32, #tpu.memory_space<vmem_shared>> -> memref<640x128xf32, #tpu.memory_space<vmem_shared>>
      tpu.wait_dma2 semaphore(%run_scoped3A : memref<!tpu.dma_semaphore, #tpu.memory_space<semaphore_mem>>) src(%dma_wait3A_26 : memref<640x128xf32, #tpu.memory_space<vmem_shared>>) dst(%dma_wait3A_24 : memref<640x128xf32, #tpu.memory_space<hbm>>)
      tpu.yield
    }) : () -> ()
    return
  }
}

module attributes {stable_mosaic.version = 14 : i64} {
  func.func @_lin_body(%arg0: i32, %arg1: memref<1000x128xf32, #tpu.memory_space<vmem>>, %arg2: memref<128x128xf32, #tpu.memory_space<vmem>>, %arg3: memref<1x128xf32, #tpu.memory_space<vmem>>, %arg4: memref<1000x128xf32, #tpu.memory_space<vmem>>) attributes {dimension_semantics = [#tpu.dimension_semantics<arbitrary>], iteration_bounds = array<i64: 10>, scalar_prefetch = 0 : i64, scratch_operands = 0 : i64, tpu.core_type = #tpu.core_type<tc>, window_params = [{transform_indices = @transform_0, window_bounds = array<i64: 1000, 128>}, {pipeline_mode = #tpu.pipeline_mode<synchronous>, transform_indices = @transform_1, window_bounds = array<i64: 128, 128>}, {pipeline_mode = #tpu.pipeline_mode<synchronous>, transform_indices = @transform_2, window_bounds = array<i64: 1, 128>}, {transform_indices = @transform_3, window_bounds = array<i64: 1000, 128>}]} {
    %get3A = arith.constant 0 : index
    %get3A_0 = arith.constant 0 : index
    %get3A_1 = vector.load %arg1[%get3A, %get3A_0] : memref<1000x128xf32, #tpu.memory_space<vmem>>, vector<1000x128xf32>
    %get3A_2 = arith.constant 0 : index
    %get3A_3 = arith.constant 0 : index
    %get3A_4 = vector.load %arg2[%get3A_2, %get3A_3] : memref<128x128xf32, #tpu.memory_space<vmem>>, vector<128x128xf32>
    %dot_general3A = arith.constant dense<0.000000e+00> : vector<1000x128xf32>
    %dot_general3A_5 = tpu.matmul %get3A_1, %get3A_4, %dot_general3A {dimension_numbers = #tpu.dot_dimension_numbers<[1], [1], [0], [0], [0, 0, 1, 0], [], []>, transpose_lhs_hint = false} : vector<1000x128xf32>, vector<128x128xf32>, vector<1000x128xf32> -> vector<1000x128xf32>
    %get3A_6 = arith.constant 0 : index
    %get3A_7 = arith.constant 0 : index
    %get3A_8 = vector.load %arg3[%get3A_6, %get3A_7] : memref<1x128xf32, #tpu.memory_space<vmem>>, vector<1x128xf32>
    %add3A = vector.broadcast %get3A_8 : vector<1x128xf32> to vector<1000x128xf32>
    %add3A_9 = arith.addf %dot_general3A_5, %add3A : vector<1000x128xf32>
    %swap3A = arith.constant 0 : index
    %swap3A_10 = arith.constant 0 : index
    %swap3A_11 = vector.load %arg4[%swap3A, %swap3A_10] : memref<1000x128xf32, #tpu.memory_space<vmem>>, vector<1000x128xf32>
    tpu.vector_store %arg4[%swap3A, %swap3A_10], %add3A_9 {strides = array<i32>} : memref<1000x128xf32, #tpu.memory_space<vmem>>, vector<1000x128xf32>,
    return
  }
  func.func @transform_0(%arg0: i32) -> (i32, i32) {
    %c0_i32 = arith.constant 0 : i32
    %c0_i32_0 = arith.constant 0 : i32
    return %arg0, %c0_i32 : i32, i32
  }
  func.func @transform_1(%arg0: i32) -> (i32, i32) {
    %c0_i32 = arith.constant 0 : i32
    %c0_i32_0 = arith.constant 0 : i32
    %c0_i32_1 = arith.constant 0 : i32
    return %c0_i32, %c0_i32_0 : i32, i32
  }
  func.func @transform_2(%arg0: i32) -> (i32, i32) {
    %c0_i32 = arith.constant 0 : i32
    %c0_i32_0 = arith.constant 0 : i32
    %c0_i32_1 = arith.constant 0 : i32
    return %c0_i32, %c0_i32_0 : i32, i32
  }
  func.func @transform_3(%arg0: i32) -> (i32, i32) {
    %c0_i32 = arith.constant 0 : i32
    %c0_i32_0 = arith.constant 0 : i32
    return %arg0, %c0_i32 : i32, i32
  }
}

module attributes {stable_mosaic.version = 14 : i64} {
  func.func @_mid_body(%arg0: i32, %arg1: memref<2x1024x128xf32, #tpu.memory_space<vmem>>, %arg2: memref<32x1024xf32, #tpu.memory_space<vmem>>, %arg3: memref<128x128xf32, #tpu.memory_space<vmem>>, %arg4: memref<1x128xf32, #tpu.memory_space<vmem>>, %arg5: memref<1024x128xf32, #tpu.memory_space<vmem>>) attributes {dimension_semantics = [#tpu.dimension_semantics<arbitrary>], iteration_bounds = array<i64: 10>, scalar_prefetch = 0 : i64, scratch_operands = 0 : i64, tpu.core_type = #tpu.core_type<tc>, window_params = [{transform_indices = @transform_0, window_bounds = array<i64: 2, 1024, 128>}, {transform_indices = @transform_1, window_bounds = array<i64: 32, 1024>}, {pipeline_mode = #tpu.pipeline_mode<synchronous>, transform_indices = @transform_2, window_bounds = array<i64: 128, 128>}, {pipeline_mode = #tpu.pipeline_mode<synchronous>, transform_indices = @transform_3, window_bounds = array<i64: 1, 128>}, {transform_indices = @transform_4, window_bounds = array<i64: 1024, 128>}]} {
    %get3A = arith.constant 0 : index
    %get3A_0 = arith.constant 0 : index
    %get3A_1 = arith.constant 0 : index
    %get3A_2 = vector.load %arg1[%get3A, %get3A_0, %get3A_1] : memref<2x1024x128xf32, #tpu.memory_space<vmem>>, vector<1x1024x128xf32>
    %get3A_3 = vector.shape_cast %get3A_2 : vector<1x1024x128xf32> to vector<1024x128xf32>
    %get3A_4 = arith.constant 1 : index
    %get3A_5 = arith.constant 0 : index
    %get3A_6 = arith.constant 0 : index
    %get3A_7 = vector.load %arg1[%get3A_4, %get3A_5, %get3A_6] : memref<2x1024x128xf32, #tpu.memory_space<vmem>>, vector<1x1024x128xf32>
    %get3A_8 = vector.shape_cast %get3A_7 : vector<1x1024x128xf32> to vector<1024x128xf32>
    %add3A = arith.addf %get3A_3, %get3A_8 : vector<1024x128xf32>
    %get3A_9 = arith.constant 0 : index
    %get3A_10 = arith.constant 0 : index
    %get3A_11 = vector.load %arg2[%get3A_9, %get3A_10] : memref<32x1024xf32, #tpu.memory_space<vmem>>, vector<32x1024xf32>
    %reduce_sum3A = arith.constant dense<0.000000e+00> : vector<1024xf32>
    %reduce_sum3A_12 = vector.multi_reduction <add>, %get3A_11, %reduce_sum3A [0] : vector<32x1024xf32> to vector<1024xf32>
    %broadcast_in_dim3A = vector.shape_cast %reduce_sum3A_12 : vector<1024xf32> to vector<1024x1xf32>
    %max3A = arith.constant 1.000000e+00 : f32
    %max3A_13 = vector.broadcast %max3A : f32 to vector<1024x1xf32>
    %max3A_14 = arith.maximumf %broadcast_in_dim3A, %max3A_13 : vector<1024x1xf32>
    %div3A = vector.broadcast %max3A_14 : vector<1024x1xf32> to vector<1024x128xf32>
    %div3A_15 = arith.divf %add3A, %div3A : vector<1024x128xf32>
    %max3A_16 = arith.constant 0.000000e+00 : f32
    %max3A_17 = vector.broadcast %max3A_16 : f32 to vector<1024x128xf32>
    %max3A_18 = arith.maximumf %div3A_15, %max3A_17 : vector<1024x128xf32>
    %get3A_19 = arith.constant 0 : index
    %get3A_20 = arith.constant 0 : index
    %get3A_21 = vector.load %arg3[%get3A_19, %get3A_20] : memref<128x128xf32, #tpu.memory_space<vmem>>, vector<128x128xf32>
    %dot_general3A = arith.constant dense<0.000000e+00> : vector<1024x128xf32>
    %dot_general3A_22 = tpu.matmul %max3A_18, %get3A_21, %dot_general3A {dimension_numbers = #tpu.dot_dimension_numbers<[1], [1], [0], [0], [0, 0, 1, 0], [], []>, transpose_lhs_hint = false} : vector<1024x128xf32>, vector<128x128xf32>, vector<1024x128xf32> -> vector<1024x128xf32>
    %get3A_23 = arith.constant 0 : index
    %get3A_24 = arith.constant 0 : index
    %get3A_25 = vector.load %arg4[%get3A_23, %get3A_24] : memref<1x128xf32, #tpu.memory_space<vmem>>, vector<1x128xf32>
    %add3A_26 = vector.broadcast %get3A_25 : vector<1x128xf32> to vector<1024x128xf32>
    %add3A_27 = arith.addf %dot_general3A_22, %add3A_26 : vector<1024x128xf32>
    %swap3A = arith.constant 0 : index
    %swap3A_28 = arith.constant 0 : index
    %swap3A_29 = vector.load %arg5[%swap3A, %swap3A_28] : memref<1024x128xf32, #tpu.memory_space<vmem>>, vector<1024x128xf32>
    tpu.vector_store %arg5[%swap3A, %swap3A_28], %add3A_27 {strides = array<i32>} : memref<1024x128xf32, #tpu.memory_space<vmem>>, vector<1024x128xf32>,
    return
  }
  func.func @transform_0(%arg0: i32) -> (i32, i32, i32) {
    %c0_i32 = arith.constant 0 : i32
    %c0_i32_0 = arith.constant 0 : i32
    %c0_i32_1 = arith.constant 0 : i32
    return %c0_i32, %arg0, %c0_i32_0 : i32, i32, i32
  }
  func.func @transform_1(%arg0: i32) -> (i32, i32) {
    %c0_i32 = arith.constant 0 : i32
    %c0_i32_0 = arith.constant 0 : i32
    return %c0_i32, %arg0 : i32, i32
  }
  func.func @transform_2(%arg0: i32) -> (i32, i32) {
    %c0_i32 = arith.constant 0 : i32
    %c0_i32_0 = arith.constant 0 : i32
    %c0_i32_1 = arith.constant 0 : i32
    return %c0_i32, %c0_i32_0 : i32, i32
  }
  func.func @transform_3(%arg0: i32) -> (i32, i32) {
    %c0_i32 = arith.constant 0 : i32
    %c0_i32_0 = arith.constant 0 : i32
    %c0_i32_1 = arith.constant 0 : i32
    return %c0_i32, %c0_i32_0 : i32, i32
  }
  func.func @transform_4(%arg0: i32) -> (i32, i32) {
    %c0_i32 = arith.constant 0 : i32
    %c0_i32_0 = arith.constant 0 : i32
    return %arg0, %c0_i32 : i32, i32
  }
}

module attributes {stable_mosaic.version = 14 : i64} {
  func.func @_fin_body(%arg0: i32, %arg1: memref<2x1024x128xf32, #tpu.memory_space<vmem>>, %arg2: memref<32x1024xf32, #tpu.memory_space<vmem>>, %arg3: memref<1024x128xf32, #tpu.memory_space<vmem>>) attributes {dimension_semantics = [#tpu.dimension_semantics<arbitrary>], iteration_bounds = array<i64: 10>, scalar_prefetch = 0 : i64, scratch_operands = 0 : i64, tpu.core_type = #tpu.core_type<tc>, window_params = [{transform_indices = @transform_0, window_bounds = array<i64: 2, 1024, 128>}, {transform_indices = @transform_1, window_bounds = array<i64: 32, 1024>}, {transform_indices = @transform_2, window_bounds = array<i64: 1024, 128>}]} {
    %get3A = arith.constant 0 : index
    %get3A_0 = arith.constant 0 : index
    %get3A_1 = arith.constant 0 : index
    %get3A_2 = vector.load %arg1[%get3A, %get3A_0, %get3A_1] : memref<2x1024x128xf32, #tpu.memory_space<vmem>>, vector<1x1024x128xf32>
    %get3A_3 = vector.shape_cast %get3A_2 : vector<1x1024x128xf32> to vector<1024x128xf32>
    %get3A_4 = arith.constant 1 : index
    %get3A_5 = arith.constant 0 : index
    %get3A_6 = arith.constant 0 : index
    %get3A_7 = vector.load %arg1[%get3A_4, %get3A_5, %get3A_6] : memref<2x1024x128xf32, #tpu.memory_space<vmem>>, vector<1x1024x128xf32>
    %get3A_8 = vector.shape_cast %get3A_7 : vector<1x1024x128xf32> to vector<1024x128xf32>
    %add3A = arith.addf %get3A_3, %get3A_8 : vector<1024x128xf32>
    %get3A_9 = arith.constant 0 : index
    %get3A_10 = arith.constant 0 : index
    %get3A_11 = vector.load %arg2[%get3A_9, %get3A_10] : memref<32x1024xf32, #tpu.memory_space<vmem>>, vector<32x1024xf32>
    %reduce_sum3A = arith.constant dense<0.000000e+00> : vector<1024xf32>
    %reduce_sum3A_12 = vector.multi_reduction <add>, %get3A_11, %reduce_sum3A [0] : vector<32x1024xf32> to vector<1024xf32>
    %broadcast_in_dim3A = vector.shape_cast %reduce_sum3A_12 : vector<1024xf32> to vector<1024x1xf32>
    %max3A = arith.constant 1.000000e+00 : f32
    %max3A_13 = vector.broadcast %max3A : f32 to vector<1024x1xf32>
    %max3A_14 = arith.maximumf %broadcast_in_dim3A, %max3A_13 : vector<1024x1xf32>
    %div3A = vector.broadcast %max3A_14 : vector<1024x1xf32> to vector<1024x128xf32>
    %div3A_15 = arith.divf %add3A, %div3A : vector<1024x128xf32>
    %swap3A = arith.constant 0 : index
    %swap3A_16 = arith.constant 0 : index
    %swap3A_17 = vector.load %arg3[%swap3A, %swap3A_16] : memref<1024x128xf32, #tpu.memory_space<vmem>>, vector<1024x128xf32>
    tpu.vector_store %arg3[%swap3A, %swap3A_16], %div3A_15 {strides = array<i32>} : memref<1024x128xf32, #tpu.memory_space<vmem>>, vector<1024x128xf32>,
    return
  }
  func.func @transform_0(%arg0: i32) -> (i32, i32, i32) {
    %c0_i32 = arith.constant 0 : i32
    %c0_i32_0 = arith.constant 0 : i32
    %c0_i32_1 = arith.constant 0 : i32
    return %c0_i32, %arg0, %c0_i32_0 : i32, i32, i32
  }
  func.func @transform_1(%arg0: i32) -> (i32, i32) {
    %c0_i32 = arith.constant 0 : i32
    %c0_i32_0 = arith.constant 0 : i32
    return %c0_i32, %arg0 : i32, i32
  }
  func.func @transform_2(%arg0: i32) -> (i32, i32) {
    %c0_i32 = arith.constant 0 : i32
    %c0_i32_0 = arith.constant 0 : i32
    return %arg0, %c0_i32 : i32, i32
  }
}

</mosaic_0001>

<sc_bundles>
// kernel: kernel.10.cloned.1.call-start
scs
__scs_entry_jumppad:
0x0: {  	(pc) =	sbr.rel $0x88, $3  }
0x1: {  	(tag) =	ssettag $0x0;
	lr =	simm.s32 $0x1  }
0x2: {  	[smem:$0x3F9B] =	sst lr;
	_ =	strace $0xD0000000  }
0x3: {  	_ = 	snop  }
0x4: {  	_ = 	snop  }
0x5: {  	_ = 	snop  }
0x6: {  	_ = 	snop  }
0x7: {  	_ = 	snop  }
__scs_overlays_trampoline_lowered:
0x8: {  	[smem:$0x3FAA] =	sst s0  }
0x9: {  	[smem:$0x3FAB] =	sst s1  }
0xa: {  	[smem:$0x3FAC] =	sst s2  }
0xb: {  	[smem:$0x3FAD] =	sst s3  }
0xc: {  	[smem:$0x3FAE] =	sst s4  }
0xd: {  	[smem:$0x3FAF] =	sst s5  }
0xe: {  	[smem:$0x3FB0] =	sst s6  }
0xf: {  	[smem:$0x3FB1] =	sst s7  }
0x10: {  	[smem:$0x3FB2] =	sst s8  }
0x11: {  	[smem:$0x3FB3] =	sst s9;
	s0 =	simm.s32 @!p0 $0x0  }
0x12: {  	s1 =	sld [smem:$0x3F99];
	s0 =	simm.s32 @p0 $0x1  }
0x13: {  	[smem:$0x3FB4] =	sst s0;
	s0 =	simm.s32 @!p1 $0x0  }
0x14: {  	s2 =	sld [smem:$0x3F98];
	s0 =	simm.s32 @p1 $0x1  }
0x15: {  	[smem:$0x3FB5] =	sst s0;
	s0 =	simm.s32 @!p2 $0x0  }
0x16: {  	s3 =	sld [smem:$0x3FDB];
	s0 =	simm.s32 @p2 $0x1  }
0x17: {  	s4 =	simm.s32 $0x1BF5;
	[smem:$0x3FB7] =	sst s0  }
0x18: {  	s0 =	sld [smem:$0x3F9A];
	_ =	swait.ge [sflag:s4], $0x0  }
0x19: {  	s7 =	sld [smem:$0x3F9B]  }
0x1a: {  	s8 =	sadd.s32 $0xFFFFE003, lr  }
0x1b: {  	s9 =	sadd.s32 $0xFFFFFEF7, lr;
	s5 =	simm.s32 $0xFFFFFFFF;
	p2 =	slt.u32 s8, $0xFFFFF086  }
0x1c: {  	p1 =	slt.u32 s9, $0xF7A;
	s5 =	simm.s32 @!p2 $0x0  }
0x1d: {  	s5 =	simm.s32 @p1 $0x1;
	p0 =	seq.s32 s7, s2  }
0x1e: {  	s7 =	smul.u32 @!p0 $0xF7A, s2;
	p2 =	seq.s32 @!p0 s5, $0x0  }
0x1f: {  	s9 =	smul.u32 $0xF7A, s1;
	s8 =	simm.s32 @!p0 $0x1BF5;
	p2 =	por !p2, p0  }
0x20: {  	[sflag:s8] =	ssyncset.s32 @!p0 $0xFFFFF086;
	s6 =	sadd.s32 @!p0 s3, s7;
	s7 =	simm.s32 @!p0 $0x108  }
0x21: {  	s3 =	sadd.s32 s3, s9;
	s6 =	sadd.s32 @!p0 $0x88, s6;
	s7 =	simm.s32 @p2 $0x1082  }
0x22: {  	[simem:s7], [sflag:s8] =	dma.local @!p0 [hbm:s6], $0xF7A  }
0x23: {  	s9 =	sor.u32 $0xD0000000, s2;
	s6 =	simm.s32 $0x108;
	_ =	swait.ge @!p0 [sflag:s8], $0x0  }
0x24: {  	s3 =	sadd.s32 $0x88, s3;
	s6 =	simm.s32 @!p1 $0x1082;
	[sflag:s4] =	ssyncset.s32 $0xFFFFF086  }
0x25: {  	[simem:s6], [sflag:s4] =	dma.local [hbm:s3], $0xF7A  }
0x26: {  	[smem:$0x3F9B] =	sst s1;
	(tag) =	ssettag s2;
	_ =	strace s9  }
0x27: {  	s1 =	sld [smem:$0x3FAB]  }
0x28: {  	s2 =	sld [smem:$0x3FAC]  }
0x29: {  	s4 =	sld [smem:$0x3FAE]  }
0x2a: {  	p0 =	seq.s32 s5, $0x0;
	s5 =	sld [smem:$0x3FAF]  }
0x2b: {  	s6 =	sld [smem:$0x3FB0]  }
0x2c: {  	s7 =	sld [smem:$0x3FB1]  }
0x2d: {  	s3 =	simm.s32 $0x108;
	s8 =	sld [smem:$0x3FB2]  }
0x2e: {  	s3 =	simm.s32 @!p0 $0x1082;
	s9 =	sld [smem:$0x3FB3]  }
0x2f: {  	lr =	sadd.s32 s0, s3;
	s0 =	sld [smem:$0x3FAA]  }
0x30: {  	s3 =	sld [smem:$0x3FAD]  }
0x31: {  	[smem:$0x3FB6] =	sst s10  }
0x32: {  	s10 =	sld [smem:$0x3FB4];
	_ =	sdelay $0x3  }
0x33: {  	p0 =	seq.s32 s10, $0x1;
	s10 =	sld [smem:$0x3FB6];
	_ =	sdelay $0x3  }
0x34: {  	[smem:$0x3FB6] =	sst s10  }
0x35: {  	s10 =	sld [smem:$0x3FB5];
	_ =	sdelay $0x3  }
0x36: {  	p1 =	seq.s32 s10, $0x1;
	s10 =	sld [smem:$0x3FB6];
	_ =	sdelay $0x3  }
0x37: {  	[smem:$0x3FB6] =	sst s10  }
0x38: {  	s10 =	sld [smem:$0x3FB7]  }
0x39: {  	_ = 	snop;
	(pc) =	sbr.ind lr, $3  }
0x3a: {  	_ = 	snop  }
0x3b: {  	_ = 	snop  }
0x3c: {  	p2 =	seq.s32 s10, $0x1;
	s10 =	sld [smem:$0x3FB6]  }
0x3d: {  	_ =	shalt  }
0x3e: {  	_ =	shalt  }
0x3f: {  	_ =	shalt  }
0x40: {  	_ =	shalt  }
0x41: {  	_ =	shalt  }
0x42: {  	_ =	shalt  }
0x43: {  	_ =	shalt  }
0x44: {  	_ =	shalt  }
0x45: {  	_ =	shalt  }
0x46: {  	_ =	shalt  }
0x47: {  	_ =	shalt  }
0x48: {  	_ =	shalt  }
0x49: {  	_ =	shalt  }
0x4a: {  	_ =	shalt  }
0x4b: {  	_ =	shalt  }
0x4c: {  	_ =	shalt  }
0x4d: {  	_ =	shalt  }
0x4e: {  	_ =	shalt  }
0x4f: {  	_ =	shalt  }
0x50: {  	_ =	shalt  }
0x51: {  	_ =	shalt  }
0x52: {  	_ =	shalt  }
0x53: {  	_ =	shalt  }
0x54: {  	_ =	shalt  }
0x55: {  	_ =	shalt  }
0x56: {  	_ =	shalt  }
0x57: {  	_ =	shalt  }
0x58: {  	_ =	shalt  }
0x59: {  	_ =	shalt  }
0x5a: {  	_ =	shalt  }
0x5b: {  	_ =	shalt  }
0x5c: {  	_ =	shalt  }
0x5d: {  	_ =	shalt  }
0x5e: {  	_ =	shalt  }
0x5f: {  	_ =	shalt  }
0x60: {  	_ =	shalt  }
0x61: {  	_ =	shalt  }
0x62: {  	_ =	shalt  }
0x63: {  	_ =	shalt  }
0x64: {  	_ =	shalt  }
0x65: {  	_ =	shalt  }
0x66: {  	_ =	shalt  }
0x67: {  	_ =	shalt  }
0x68: {  	_ =	shalt  }
0x69: {  	_ =	shalt  }
0x6a: {  	_ =	shalt  }
0x6b: {  	_ =	shalt  }
0x6c: {  	_ =	shalt  }
0x6d: {  	_ =	shalt  }
0x6e: {  	_ =	shalt  }
0x6f: {  	_ =	shalt  }
0x70: {  	_ =	shalt  }
0x71: {  	_ =	shalt  }
0x72: {  	_ =	shalt  }
0x73: {  	_ =	shalt  }
0x74: {  	_ =	shalt  }
0x75: {  	_ =	shalt  }
0x76: {  	_ =	shalt  }
0x77: {  	_ =	shalt  }
0x78: {  	_ =	shalt  }
0x79: {  	_ =	shalt  }
0x7a: {  	_ =	shalt  }
0x7b: {  	_ =	shalt  }
0x7c: {  	_ =	shalt  }
0x7d: {  	_ =	shalt  }
0x7e: {  	_ =	shalt  }
0x7f: {  	_ =	shalt  }
0x80: {  	_ =	shalt  }
0x81: {  	_ =	shalt  }
0x82: {  	_ =	shalt  }
0x83: {  	_ =	shalt  }
0x84: {  	_ =	shalt  }
0x85: {  	_ =	shalt  }
0x86: {  	_ =	shalt  }
0x87: {  	_ =	shalt  }
.Lfunc_end0:
.L_simem_size_0:
called_computation.1_lowered:
.L_overlay_start_0:
0x88: {  	s2 =	sld [smem:$0x3FD9]  }
0x89: {  	s3 =	sld [smem:$0x3FFE];
	_ =	sdelay $0x1  }
0x8a: {  	s1 =	srdreg.scid  }
0x8b: {  	s0 =	sand.u32 $0x1, s1  }
0x8c: {  	s16 =	sshll.u32 s0, $0xA;
	s2 =	sadd.s32 s3, s2  }
0x8d: {  	s2 =	sadd.s32 s2, s16  }
0x8e: {  	[smem:$0x3FC2] =	sst s2  }
0x8f: {  	_ = 	snop  }
0x90: {  	(tm) =	ssettm $0x1  }
0x91: {  	s17 =	sld [smem:$0x3FFB];
	_ =	sdelay $0x3  }
0x92: {  	_ =	strace s17  }
0x93: {  	s2 =	sld [smem:$0x3FFC];
	_ =	sdelay $0x3  }
0x94: {  	_ =	strace s2  }
0x95: {  	s2 =	sld [smem:$0x3FFD];
	_ =	sdelay $0x3  }
0x96: {  	_ =	strace s2  }
0x97: {  	_ =	strace $0x8FFFFFFF  }
0x98: {  	s18 =	sld [smem:$0x3FDB];
	_ =	sdelay $0x1  }
0x99: {  	s19 =	simm.s32 $_scs_section_size  }
0x9a: {  	s4 =	simm.s32 $_size__tile_overlayer_lowered;
	s5 =	simm.s32 $_tile_overlayer_lowered  }
0x9b: {  	s22 =	simm.s32 $0x1BFF;
	s21 =	sshll.u32 s5, $0x1;
	s2 =	sadd.s32 s19, s18  }
0x9c: {  	s6 =	simm.s32 $0x0;
	s20 =	sshll.u32 s4, $0x1;
	s4 =	sadd.s32 s21, s2  }
0x9d: {  	[timem:s6], [sflag:s22] =	dma.local [hbm:s4], s20  }
0x9e: {  	_ =	swait.ge [sflag:s22], s20  }
0x9f: {  	s3 =	ssub.s32 $0x0, s20;
	[sflag:s22] =	ssyncset.done $0x0  }
0xa0: {  	[sflag:s22] =	ssyncadd.s32 s3;
	_ =	sdelay $0x1  }
0xa1: {  	s23 =	simm.s32 $0x1B8B  }
0xa2: {  	_ =	swait.ge [sflag:s23], $0x1  }
0xa3: {  	[sflag:s23] =	ssyncset.done $0x0  }
0xa4: {  	s25 =	simm.s32 $0x1B8E;
	s24 =	sld [smem:$0x3FFE];
	[sflag:s23] =	ssyncadd.s32 $0xFFFFFFFF  }
0xa5: {  	s26 =	simm.s32 $execute0_lowered;
	[smem:$0x3FD2] =	sst s25  }
0xa6: {  	s4 =	sshll.u32 s26, $0x1;
	_ =	strace $0x80000049;
	[dreg:$0x1] =	wrdreg $0xFFFFFFFF  }
0xa7: {  	s28 =	simm.s32 $_size_execute0_lowered;
	s2 =	sadd.s32 s2, s4;
	[dreg:$0x0] =	wrdreg $0x0  }
0xa8: {  	s4 =	sshll.u32 s28, $0x1;
	[dreg:$0x2] =	wrdreg s2  }
0xa9: {  	[dreg:$0x3] =	wrdreg s4  }
0xaa: {  	[dreg:$0x4] =	wrdreg $0xC0  }
0xab: {  	_ =	task [dreg:s6], $0x5FFFF  }
0xac: {  	[dreg:$0x1] =	wrdreg $0xFFFFFFFF  }
0xad: {  	[dreg:$0x0] =	wrdreg $0x60  }
0xae: {  	[dreg:$0x2] =	wrdreg s24  }
0xaf: {  	[dreg:$0x3] =	wrdreg $0x0  }
0xb0: {  	[dreg:$0x4] =	wrdreg $0x9  }
0xb1: {  	_ =	task.clear_ibuf [dreg:s6], $0x5FFFF;
	_ =	strace $0x90000049  }
0xb2: {  	s29 =	simm.s32 $0x9;
	_ =	strace $0x8000004B  }
0xb3: {  	_ =	swait.ge [sflag:s29], $0x1  }
0xb4: {  	[sflag:s29] =	ssyncadd.s32 $0xFFFFFFFF  }
0xb5: {  	_ =	strace $0x9000004B  }
0xb6: {  	_ =	sfence  }
0xb7: {  	s30 =	sld [smem:$0x0];
	_ =	sdelay $0x2  }
0xb8: {  	s31 =	sshll.u32 s1, $0xD;
	s1 =	sshrl.u32 s1, $0x2  }
0xb9: {  	s3 =	sand.u32 $0x4000, s31;
	s1 =	sadd.s32 s1, s30  }
0xba: {  	s0 =	sor.u32 s3, s0;
	s1 =	sshll.u32 s1, $0x11  }
0xbb: {  	s0 =	sor.u32 s1, s0  }
0xbc: {  	s0 =	sadd.s32 $0x8F2B, s0  }
0xbd: {  	[sflag:s0] =	ssyncadd.remote.s32 $0x1  }
0xbe: {  	_ =	sfence.sel $0xFFFF  }
0xbf: {  	[dreg:$0x0] =	wrdreg $0xFFFFFFFF;
	(pc) =	sbr.abs _section_cstart, $3  }
0xc0: {  	[dreg:$0x1] =	wrdreg $0xFFFFFFFF  }
0xc1: {  	_ =	task.clear_ibuf [dreg:s6], $0x2FFFF;
	_ =	strace $0x9FFFFFFF  }
0xc2: {  	(tm) =	ssettm $0x7FFFFFFF  }
0xc3: {  	_ =	shalt  }
tec
execute0_lowered:
.L_overlay_start_1:
0x0: {  	(tag) =	ssettag $0x1  }
0x1: {  	s0 =	rddreg [dreg:$0x0]  }
0x2: {  	s2 =	rddreg [dreg:$0x1]  }
0x3: {  	s3 =	simm.s32 $0x0;
	s11 =	stileid.u32;
	s1 =	srdreg.scid  }
0x4: {  	s16 =	simm.s32 $0x3;
	s28 =	simm.s32 $0x1C280;
	s29 =	simm.s32 $0x10  }
0x5: {  	s30 =	simm.s32 $0x1C300;
	s31 =	simm.s32 $0x0;
	[smem:$0x7FF] =	sst s3  }
0x6: {  	s5 =	smul.u32 $0x14000, s11;
	s1 =	sand.u32 $0x1, s1;
	s4 =	sadd.s32 $0x3DE00, s0  }
0x7: {  	s14 =	sadd.s32 $0xB800, s0;
	s13 =	sadd.s32 $0x1A00, s0;
	s9 =	smul.u32 $0x50000, s11  }
0x8: {  	s17 =	sshll.u32 s11, $0x1;
	s20 =	smul.u32 $0x4E20, s11;
	s21 =	sshll.u32 s11, $0x6  }
0x9: {  	_ =	strace $0x8000004A;
	s6 =	smul.u32 $0x140000, s1;
	s8 =	ssub.s32 $0x2, s1  }
0xa: {  	s7 =	sshrl.u32 s5, $0x3;
	s10 =	sshrl.u32 s8, $0x1;
	s19 =	sshrl.u32 s9, $0x2  }
0xb: {  	s7 =	sadd.s32 s7, s0;
	s5 =	sadd.s32 s5, s6;
	s6 =	sor.u32 s1, s17  }
0xc: {  	s18 =	ssub.s32 s8, s10;
	s15 =	sadd.s32 s19, s2;
	s1 =	smul.u32 $0x2710, s1  }
0xd: {  	s17 =	simm.s32 $0x14000;
	s19 =	simm.s32 $0x80;
	s5 =	sshrl.u32 s5, $0x3  }
0xe: {  	s6 =	smul.u32 $0x2710, s6;
	s23 =	sadd.s32 $0x15E00, s7;
	s10 =	smax.u32 s18, $0x1  }
0xf: {  	s15 =	sshrl.u32 s15, $0x3;
	s18 =	simm.s32 $0x14080;
	s0 =	sadd.s32 s5, s0  }
0x10: {  	[dreg:$0x3] =	wrdreg s23;
	s26 =	sadd.s32 s1, s20;
	s20 =	simm.s32 $0x14200  }
0x11: {  	s23 =	simm.s32 $0x18200;
	s6 =	sshrl.u32 s6, $0x3;
	s9 =	sadd.s32 $0x97E00, s0  }
0x12: {  	s1 =	sshrl.u32 s26, $0x3;
	s0 =	sadd.s32 $0x80, s26;
	s26 =	simm.s32 $0x1C200  }
0x13: {  	s22 =	sadd.s32 $0x4E0, s6;
	s6 =	sor.u32 $0x1C03, s21;
	s11 =	sadd.s32 s1, s13  }
0x14: {  	s12 =	sadd.s32 s1, s14;
	s0 =	sshrl.u32 s0, $0x3;
	s21 =	simm.s32 $0x14100  }
0x15: {  	s24 =	sadd.s32 s14, s22;
	s25 =	sadd.s32 s13, s22;
	s13 =	sadd.s32 s0, s13  }
0x16: {  	s14 =	sadd.s32 s0, s14;
	s22 =	simm.s32 $0x14180;
	[dreg:$0x4] =	wrdreg s24  }
0x17: {  	[dreg:$0x5] =	wrdreg s25;
	s24 =	simm.s32 $0x1;
	s25 =	simm.s32 $0x2  }
.LBB2_1:
0x18: {  	s0 =	rddreg [dreg:$0x3]  }
0x19: {  	[spmem:s15], [sflag:s6] =	dma.local [hbm:s0], $0x2800  }
0x1a: {  	_ =	swait.ge [sflag:s16], $0x2800  }
0x1b: {  	[sflag:s16] =	ssyncset.done $0x0  }
0x1c: {  	[sflag:s16] =	ssyncadd.s32 $0xFFFFD800  }
0x1d: {  	s1 =	sadd.s32 $0x0, s12;
	[bflag:$0x0] =	sbarrier.arrive $0xFFFF  }
0x1e: {  	[tilespmem:s17], [sflag:$0x3] =	stream.linear.gather [hbm4b:s1+s3], $0x80, $0x38;
	[tilespmem:$0x1CB00] =	vst v63  }
0x1f: {  	_ =	swait.ge [sflag:s16], $0x80  }
0x20: {  	[sflag:s16] =	ssyncset.done $0x0  }
0x21: {  	s5 =	sadd.s32 $0x0, s11;
	[sflag:s16] =	ssyncadd.s32 $0xFFFFFF80  }
0x22: {  	[tilespmem:s18], [sflag:$0x3] =	stream.linear.gather [hbm4b:s5+s3], $0x80, $0x38;
	[tilespmem:$0x1CB00] =	vst v63  }
0x23: {  	_ =	swait.ge [sflag:s16], $0x80  }
0x24: {  	[sflag:s16] =	ssyncset.done $0x0  }
0x25: {  	[sflag:s16] =	ssyncadd.s32 $0xFFFFFF80  }
0x26: {  	[tilespmem:s20], [sflag:$0x1] =	stream.indirect.gather [hbm4b:s4+s19], $0x80, s17, s19, $0xb8;
	[tilespmem:$0x1CB00] =	vst v63  }
0x27: {  	s7 =	sadd.s32 $0x0, s14  }
0x28: {  	[tilespmem:s21], [sflag:$0x3] =	stream.linear.gather [hbm4b:s7+s3], $0x80, $0x38;
	[tilespmem:$0x1CB00] =	vst v63  }
0x29: {  	_ =	swait.ge [sflag:s16], $0x80  }
0x2a: {  	[sflag:s16] =	ssyncset.done $0x0  }
0x2b: {  	s8 =	sadd.s32 $0x0, s13;
	[sflag:s16] =	ssyncadd.s32 $0xFFFFFF80  }
0x2c: {  	[tilespmem:s22], [sflag:$0x3] =	stream.linear.gather [hbm4b:s8+s3], $0x80, $0x38;
	[tilespmem:$0x1CB00] =	vst v63  }
0x2d: {  	_ =	swait.ge [sflag:s16], $0x80  }
0x2e: {  	[sflag:s16] =	ssyncset.done $0x0  }
0x2f: {  	[sflag:s16] =	ssyncadd.s32 $0xFFFFFF80  }
0x30: {  	[tilespmem:s23], [sflag:$0x2] =	stream.indirect.gather [hbm4b:s4+s19], $0x80, s21, s19, $0xb8;
	[tilespmem:$0x1CB00] =	vst v63  }
0x31: {  	_ =	swait.ge [sflag:s24], $0x4000  }
0x32: {  	[sflag:s24] =	ssyncset.done $0x0  }
0x33: {  	[sflag:s24] =	ssyncadd.s32 $0xFFFFC000  }
0x34: {  	[spmem:s2] =	stream.indirect.scatter.add.f32 [tilespmem:s20], [sflag:$0x3], $0x80, s18, s19, $0xb8;
	[tilespmem:$0x1CB00] =	vst v63  }
0x35: {  	_ =	swait.ge [sflag:s16], $0x4000  }
0x36: {  	[sflag:s16] =	ssyncset.done $0x0  }
0x37: {  	[sflag:s16] =	ssyncadd.s32 $0xFFFFC000  }
0x38: {  	_ =	swait.ge [sflag:s25], $0x4000  }
0x39: {  	[sflag:s25] =	ssyncset.done $0x0  }
0x3a: {  	[sflag:s25] =	ssyncadd.s32 $0xFFFFC000  }
0x3b: {  	[spmem:s2] =	stream.indirect.scatter.add.f32 [tilespmem:s23], [sflag:$0x3], $0x80, s22, s19, $0xb8;
	[tilespmem:$0x1CB00] =	vst v63  }
0x3c: {  	_ =	swait.ge [sflag:s16], $0x4000  }
0x3d: {  	s0 =	simm.s32 $0x20;
	s1 =	simm.s32 $0x40;
	[sflag:s16] =	ssyncset.done $0x0  }
.LBB2_2:
0x3e: {  	s7 =	sadd.s32 s0, s12  }
0x3f: {  	[sflag:s16] =	ssyncadd.s32 $0xFFFFC000;
	s8 =	smov.u32 s1;
	s5 =	sadd.s32 $0x20, s1  }
0x40: {  	[tilespmem:s17], [sflag:$0x3] =	stream.linear.gather [hbm4b:s7+s3], $0x80, $0x38;
	[tilespmem:$0x1CB00] =	vst v63  }
0x41: {  	p0 =	sne.s32 s1, $0x4C0;
	_ =	swait.ge [sflag:s16], $0x80  }
0x42: {  	[sflag:s16] =	ssyncset.done $0x0  }
0x43: {  	s1 =	sadd.s32 s0, s11;
	[sflag:s16] =	ssyncadd.s32 $0xFFFFFF80  }
0x44: {  	[tilespmem:s18], [sflag:$0x3] =	stream.linear.gather [hbm4b:s1+s3], $0x80, $0x38;
	[tilespmem:$0x1CB00] =	vst v63  }
0x45: {  	_ =	swait.ge [sflag:s16], $0x80  }
0x46: {  	[sflag:s16] =	ssyncset.done $0x0  }
0x47: {  	[sflag:s16] =	ssyncadd.s32 $0xFFFFFF80  }
0x48: {  	[tilespmem:s20], [sflag:$0x1] =	stream.indirect.gather [hbm4b:s4+s19], $0x80, s17, s19, $0xb8;
	[tilespmem:$0x1CB00] =	vst v63  }
0x49: {  	s1 =	sadd.s32 s0, s14  }
0x4a: {  	[tilespmem:s21], [sflag:$0x3] =	stream.linear.gather [hbm4b:s1+s3], $0x80, $0x38;
	[tilespmem:$0x1CB00] =	vst v63  }
0x4b: {  	_ =	swait.ge [sflag:s16], $0x80  }
0x4c: {  	[sflag:s16] =	ssyncset.done $0x0  }
0x4d: {  	s1 =	sadd.s32 s0, s13;
	s0 =	smov.u32 s8;
	[sflag:s16] =	ssyncadd.s32 $0xFFFFFF80  }
0x4e: {  	[tilespmem:s22], [sflag:$0x3] =	stream.linear.gather [hbm4b:s1+s3], $0x80, $0x38;
	[tilespmem:$0x1CB00] =	vst v63  }
0x4f: {  	_ =	swait.ge [sflag:s16], $0x80  }
0x50: {  	[sflag:s16] =	ssyncset.done $0x0  }
0x51: {  	[sflag:s16] =	ssyncadd.s32 $0xFFFFFF80  }
0x52: {  	[tilespmem:s23], [sflag:$0x2] =	stream.indirect.gather [hbm4b:s4+s19], $0x80, s21, s19, $0xb8;
	[tilespmem:$0x1CB00] =	vst v63  }
0x53: {  	_ =	swait.ge [sflag:s24], $0x4000  }
0x54: {  	[sflag:s24] =	ssyncset.done $0x0  }
0x55: {  	[sflag:s24] =	ssyncadd.s32 $0xFFFFC000  }
0x56: {  	[spmem:s2] =	stream.indirect.scatter.add.f32 [tilespmem:s20], [sflag:$0x3], $0x80, s18, s19, $0xb8;
	[tilespmem:$0x1CB00] =	vst v63  }
0x57: {  	_ =	swait.ge [sflag:s16], $0x4000  }
0x58: {  	[sflag:s16] =	ssyncset.done $0x0  }
0x59: {  	[sflag:s16] =	ssyncadd.s32 $0xFFFFC000  }
0x5a: {  	_ =	swait.ge [sflag:s25], $0x4000  }
.Ltmp0:
0x5b: {  	[sflag:s25] =	ssyncset.done $0x0;
	(pc) =	sbr.rel @p0 .LBB2_2-.Ltmp0, $4  }
0x5c: {  	[sflag:s25] =	ssyncadd.s32 $0xFFFFC000  }
0x5d: {  	[spmem:s2] =	stream.indirect.scatter.add.f32 [tilespmem:s23], [sflag:$0x3], $0x80, s22, s19, $0xb8;
	[tilespmem:$0x1CB00] =	vst v63  }
0x5e: {  	_ =	swait.ge [sflag:s16], $0x4000  }
0x5f: {  	s1 =	smov.u32 s5;
	[sflag:s16] =	ssyncset.done $0x0  }
0x60: {  	s1 =	sadd.s32 s0, s12;
	[sflag:s16] =	ssyncadd.s32 $0xFFFFC000  }
0x61: {  	[tilespmem:s17], [sflag:$0x3] =	stream.linear.gather [hbm4b:s1+s3], $0x80, $0x38;
	[tilespmem:$0x1CB00] =	vst v63  }
0x62: {  	_ =	swait.ge [sflag:s16], $0x80  }
0x63: {  	[sflag:s16] =	ssyncset.done $0x0  }
0x64: {  	s7 =	sadd.s32 s0, s11;
	[sflag:s16] =	ssyncadd.s32 $0xFFFFFF80  }
0x65: {  	[tilespmem:s18], [sflag:$0x3] =	stream.linear.gather [hbm4b:s7+s3], $0x80, $0x38;
	[tilespmem:$0x1CB00] =	vst v63  }
0x66: {  	_ =	swait.ge [sflag:s16], $0x80  }
0x67: {  	[sflag:s16] =	ssyncset.done $0x0  }
0x68: {  	[sflag:s16] =	ssyncadd.s32 $0xFFFFFF80  }
0x69: {  	[tilespmem:s20], [sflag:$0x1] =	stream.indirect.gather [hbm4b:s4+s19], $0x80, s17, s19, $0xb8;
	[tilespmem:$0x1CB00] =	vst v63  }
0x6a: {  	s8 =	sadd.s32 s0, s14  }
0x6b: {  	[tilespmem:s21], [sflag:$0x3] =	stream.linear.gather [hbm4b:s8+s3], $0x80, $0x38;
	[tilespmem:$0x1CB00] =	vst v63  }
0x6c: {  	_ =	swait.ge [sflag:s16], $0x80  }
0x6d: {  	[sflag:s16] =	ssyncset.done $0x0  }
0x6e: {  	s5 =	sadd.s32 s0, s13;
	[sflag:s16] =	ssyncadd.s32 $0xFFFFFF80  }
0x6f: {  	[tilespmem:s22], [sflag:$0x3] =	stream.linear.gather [hbm4b:s5+s3], $0x80, $0x38;
	[tilespmem:$0x1CB00] =	vst v63  }
0x70: {  	_ =	swait.ge [sflag:s16], $0x80  }
0x71: {  	[sflag:s16] =	ssyncset.done $0x0  }
0x72: {  	[sflag:s16] =	ssyncadd.s32 $0xFFFFFF80  }
0x73: {  	[tilespmem:s23], [sflag:$0x2] =	stream.indirect.gather [hbm4b:s4+s19], $0x80, s21, s19, $0xb8;
	[tilespmem:$0x1CB00] =	vst v63  }
0x74: {  	_ =	swait.ge [sflag:s24], $0x4000  }
0x75: {  	[sflag:s24] =	ssyncset.done $0x0  }
0x76: {  	[sflag:s24] =	ssyncadd.s32 $0xFFFFC000  }
0x77: {  	[spmem:s2] =	stream.indirect.scatter.add.f32 [tilespmem:s20], [sflag:$0x3], $0x80, s18, s19, $0xb8;
	[tilespmem:$0x1CB00] =	vst v63  }
0x78: {  	_ =	swait.ge [sflag:s16], $0x4000  }
0x79: {  	[sflag:s16] =	ssyncset.done $0x0  }
0x7a: {  	[sflag:s16] =	ssyncadd.s32 $0xFFFFC000  }
0x7b: {  	_ =	swait.ge [sflag:s25], $0x4000  }
0x7c: {  	[sflag:s25] =	ssyncset.done $0x0  }
0x7d: {  	[sflag:s25] =	ssyncadd.s32 $0xFFFFC000  }
0x7e: {  	[spmem:s2] =	stream.indirect.scatter.add.f32 [tilespmem:s23], [sflag:$0x3], $0x80, s22, s19, $0xb8;
	[tilespmem:$0x1CB00] =	vst v63  }
0x7f: {  	_ =	swait.ge [sflag:s16], $0x4000  }
0x80: {  	[sflag:s16] =	ssyncset.done $0x0  }
0x81: {  	s7 =	rddreg [dreg:$0x4];
	[sflag:s16] =	ssyncadd.s32 $0xFFFFC000  }
0x82: {  	[tilespmem:s26], [sflag:$0x3] =	stream.linear.gather [hbm4b:s7+s3], $0x10, $0x38;
	[tilespmem:$0x1CB00] =	vst v63  }
0x83: {  	_ =	swait.ge [sflag:s16], $0x10  }
0x84: {  	[sflag:s16] =	ssyncset.done $0x0  }
0x85: {  	s8 =	rddreg [dreg:$0x5];
	[sflag:s16] =	ssyncadd.s32 $0xFFFFFFF0  }
0x86: {  	[tilespmem:s28], [sflag:$0x3] =	stream.linear.gather [hbm4b:s8+s3], $0x10, $0x38;
	[tilespmem:$0x1CB00] =	vst v63  }
0x87: {  	_ =	swait.ge [sflag:s16], $0x10  }
0x88: {  	[sflag:s16] =	ssyncset.done $0x0  }
0x89: {  	[sflag:s16] =	ssyncadd.s32 $0xFFFFFFF0  }
0x8a: {  	[tilespmem:s30], [sflag:$0x1] =	stream.indirect.gather [hbm4b:s4+s29], $0x80, s26, s29, $0xb8;
	[tilespmem:$0x1CB00] =	vst v63  }
0x8b: {  	_ =	swait.ge [sflag:s24], $0x800  }
0x8c: {  	[sflag:s24] =	ssyncset.done $0x0  }
0x8d: {  	[sflag:s24] =	ssyncadd.s32 $0xFFFFF800  }
0x8e: {  	[spmem:s2] =	stream.indirect.scatter.add.f32 [tilespmem:s30], [sflag:$0x3], $0x80, s28, s29, $0xb8;
	[tilespmem:$0x1CB00] =	vst v63  }
0x8f: {  	_ =	swait.ge [sflag:s16], $0x800  }
0x90: {  	s31 =	sadd.s32 $0x1, s31;
	[sflag:s16] =	ssyncset.done $0x0  }
0x91: {  	p0 =	sne.s32 s31, s10;
	[sflag:s16] =	ssyncadd.s32 $0xFFFFF800  }
.Ltmp1:
0x92: {  	[bflag:$0x0] =	sbarrier.arrive $0xFFFF;
	(pc) =	sbr.rel @p0 .LBB2_1-.Ltmp1, $4  }
0x93: {  	[hbm:s9], [sflag:s6] =	dma.local [spmem:s15], $0x2800  }
0x94: {  	_ =	swait.ge [sflag:s16], $0x2800  }
0x95: {  	[sflag:s16] =	ssyncset.done $0x0  }
0x96: {  	[sflag:s16] =	ssyncadd.s32 $0xFFFFD800  }
0x97: {  	_ =	sfence.sel $0x180000  }
0x98: {  	[bflag:$0x0] =	sbarrier.arrive $0xFFFF  }
0x99: {  	_ =	strace $0x9000004A  }
0x9a: {  	s0 =	stileid.u32;
	[bflag:$0x2] =	sbarrier.arrive $0xFFFF  }
0x9b: {  	p0 =	sne.s32 s0, $0x0;
	s0 =	rddreg [dreg:$0x2]  }
0x9c: {  	s0 =	sadd.s32 @!p0 $0x100000, s0  }
0x9d: {  	[sflag:s0] =	ssyncadd.tile.s32 @!p0 $0x1;
	_ =	shalt  }
.Lfunc_end2:
_tile_overlayer_lowered:
.L_overlay_start_2:
0x9e: {  	(tag) =	ssettag $0x2  }
0x9f: {  	s0 =	rddreg [dreg:$0x0];
	s2 =	stileid.u32  }
0xa0: {  	s1 =	rddreg [dreg:$0x1];
	p0 =	sne.s32 s2, $0x0  }
0xa1: {  	s3 =	rddreg [dreg:$0x2];
	[bflag:$0x3] =	sbarrier.arrive $0xFFFF;
	s2 =	simm.s32 @!p0 $0x1C03  }
0xa2: {  	[timem:s3], [sflag:s2] =	dma.local @!p0 [hbm:s0], s1  }
0xa3: {  	s0 =	simm.s32 @!p0 $0x3  }
0xa4: {  	_ =	swait.ge @!p0 [sflag:s0], s1  }
0xa5: {  	s1 =	ssub.s32 @!p0 $0x0, s1;
	[sflag:s0] =	ssyncset.done @!p0 $0x0  }
0xa6: {  	[sflag:s0] =	ssyncadd.s32 @!p0 s1  }
0xa7: {  	[bflag:$0x3] =	sbarrier.arrive $0xFFFF  }
0xa8: {  	_ =	shalt  }

// kernel: kernel.7.cloned.1.call-start
scs
__scs_entry_jumppad:
0x0: {  	(pc) =	sbr.rel $0x88, $3  }
0x1: {  	(tag) =	ssettag $0x0;
	lr =	simm.s32 $0x1  }
0x2: {  	[smem:$0x3F9B] =	sst lr;
	_ =	strace $0xD0000000  }
0x3: {  	_ = 	snop  }
0x4: {  	_ = 	snop  }
0x5: {  	_ = 	snop  }
0x6: {  	_ = 	snop  }
0x7: {  	_ = 	snop  }
__scs_overlays_trampoline_lowered:
0x8: {  	[smem:$0x3FAA] =	sst s0  }
0x9: {  	[smem:$0x3FAB] =	sst s1  }
0xa: {  	[smem:$0x3FAC] =	sst s2  }
0xb: {  	[smem:$0x3FAD] =	sst s3  }
0xc: {  	[smem:$0x3FAE] =	sst s4  }
0xd: {  	[smem:$0x3FAF] =	sst s5  }
0xe: {  	[smem:$0x3FB0] =	sst s6  }
0xf: {  	[smem:$0x3FB1] =	sst s7  }
0x10: {  	[smem:$0x3FB2] =	sst s8  }
0x11: {  	[smem:$0x3FB3] =	sst s9;
	s0 =	simm.s32 @!p0 $0x0  }
0x12: {  	s1 =	sld [smem:$0x3F99];
	s0 =	simm.s32 @p0 $0x1  }
0x13: {  	[smem:$0x3FB4] =	sst s0;
	s0 =	simm.s32 @!p1 $0x0  }
0x14: {  	s2 =	sld [smem:$0x3F98];
	s0 =	simm.s32 @p1 $0x1  }
0x15: {  	[smem:$0x3FB5] =	sst s0;
	s0 =	simm.s32 @!p2 $0x0  }
0x16: {  	s3 =	sld [smem:$0x3FDB];
	s0 =	simm.s32 @p2 $0x1  }
0x17: {  	s4 =	simm.s32 $0x1BF5;
	[smem:$0x3FB7] =	sst s0  }
0x18: {  	s0 =	sld [smem:$0x3F9A];
	_ =	swait.ge [sflag:s4], $0x0  }
0x19: {  	s7 =	sld [smem:$0x3F9B]  }
0x1a: {  	s8 =	sadd.s32 $0xFFFFE003, lr  }
0x1b: {  	s9 =	sadd.s32 $0xFFFFFEF7, lr;
	s5 =	simm.s32 $0xFFFFFFFF;
	p2 =	slt.u32 s8, $0xFFFFF086  }
0x1c: {  	p1 =	slt.u32 s9, $0xF7A;
	s5 =	simm.s32 @!p2 $0x0  }
0x1d: {  	s5 =	simm.s32 @p1 $0x1;
	p0 =	seq.s32 s7, s2  }
0x1e: {  	s7 =	smul.u32 @!p0 $0xF7A, s2;
	p2 =	seq.s32 @!p0 s5, $0x0  }
0x1f: {  	s9 =	smul.u32 $0xF7A, s1;
	s8 =	simm.s32 @!p0 $0x1BF5;
	p2 =	por !p2, p0  }
0x20: {  	[sflag:s8] =	ssyncset.s32 @!p0 $0xFFFFF086;
	s6 =	sadd.s32 @!p0 s3, s7;
	s7 =	simm.s32 @!p0 $0x108  }
0x21: {  	s3 =	sadd.s32 s3, s9;
	s6 =	sadd.s32 @!p0 $0x88, s6;
	s7 =	simm.s32 @p2 $0x1082  }
0x22: {  	[simem:s7], [sflag:s8] =	dma.local @!p0 [hbm:s6], $0xF7A  }
0x23: {  	s9 =	sor.u32 $0xD0000000, s2;
	s6 =	simm.s32 $0x108;
	_ =	swait.ge @!p0 [sflag:s8], $0x0  }
0x24: {  	s3 =	sadd.s32 $0x88, s3;
	s6 =	simm.s32 @!p1 $0x1082;
	[sflag:s4] =	ssyncset.s32 $0xFFFFF086  }
0x25: {  	[simem:s6], [sflag:s4] =	dma.local [hbm:s3], $0xF7A  }
0x26: {  	[smem:$0x3F9B] =	sst s1;
	(tag) =	ssettag s2;
	_ =	strace s9  }
0x27: {  	s1 =	sld [smem:$0x3FAB]  }
0x28: {  	s2 =	sld [smem:$0x3FAC]  }
0x29: {  	s4 =	sld [smem:$0x3FAE]  }
0x2a: {  	p0 =	seq.s32 s5, $0x0;
	s5 =	sld [smem:$0x3FAF]  }
0x2b: {  	s6 =	sld [smem:$0x3FB0]  }
0x2c: {  	s7 =	sld [smem:$0x3FB1]  }
0x2d: {  	s3 =	simm.s32 $0x108;
	s8 =	sld [smem:$0x3FB2]  }
0x2e: {  	s3 =	simm.s32 @!p0 $0x1082;
	s9 =	sld [smem:$0x3FB3]  }
0x2f: {  	lr =	sadd.s32 s0, s3;
	s0 =	sld [smem:$0x3FAA]  }
0x30: {  	s3 =	sld [smem:$0x3FAD]  }
0x31: {  	[smem:$0x3FB6] =	sst s10  }
0x32: {  	s10 =	sld [smem:$0x3FB4];
	_ =	sdelay $0x3  }
0x33: {  	p0 =	seq.s32 s10, $0x1;
	s10 =	sld [smem:$0x3FB6];
	_ =	sdelay $0x3  }
0x34: {  	[smem:$0x3FB6] =	sst s10  }
0x35: {  	s10 =	sld [smem:$0x3FB5];
	_ =	sdelay $0x3  }
0x36: {  	p1 =	seq.s32 s10, $0x1;
	s10 =	sld [smem:$0x3FB6];
	_ =	sdelay $0x3  }
0x37: {  	[smem:$0x3FB6] =	sst s10  }
0x38: {  	s10 =	sld [smem:$0x3FB7]  }
0x39: {  	_ = 	snop;
	(pc) =	sbr.ind lr, $3  }
0x3a: {  	_ = 	snop  }
0x3b: {  	_ = 	snop  }
0x3c: {  	p2 =	seq.s32 s10, $0x1;
	s10 =	sld [smem:$0x3FB6]  }
0x3d: {  	_ =	shalt  }
0x3e: {  	_ =	shalt  }
0x3f: {  	_ =	shalt  }
0x40: {  	_ =	shalt  }
0x41: {  	_ =	shalt  }
0x42: {  	_ =	shalt  }
0x43: {  	_ =	shalt  }
0x44: {  	_ =	shalt  }
0x45: {  	_ =	shalt  }
0x46: {  	_ =	shalt  }
0x47: {  	_ =	shalt  }
0x48: {  	_ =	shalt  }
0x49: {  	_ =	shalt  }
0x4a: {  	_ =	shalt  }
0x4b: {  	_ =	shalt  }
0x4c: {  	_ =	shalt  }
0x4d: {  	_ =	shalt  }
0x4e: {  	_ =	shalt  }
0x4f: {  	_ =	shalt  }
0x50: {  	_ =	shalt  }
0x51: {  	_ =	shalt  }
0x52: {  	_ =	shalt  }
0x53: {  	_ =	shalt  }
0x54: {  	_ =	shalt  }
0x55: {  	_ =	shalt  }
0x56: {  	_ =	shalt  }
0x57: {  	_ =	shalt  }
0x58: {  	_ =	shalt  }
0x59: {  	_ =	shalt  }
0x5a: {  	_ =	shalt  }
0x5b: {  	_ =	shalt  }
0x5c: {  	_ =	shalt  }
0x5d: {  	_ =	shalt  }
0x5e: {  	_ =	shalt  }
0x5f: {  	_ =	shalt  }
0x60: {  	_ =	shalt  }
0x61: {  	_ =	shalt  }
0x62: {  	_ =	shalt  }
0x63: {  	_ =	shalt  }
0x64: {  	_ =	shalt  }
0x65: {  	_ =	shalt  }
0x66: {  	_ =	shalt  }
0x67: {  	_ =	shalt  }
0x68: {  	_ =	shalt  }
0x69: {  	_ =	shalt  }
0x6a: {  	_ =	shalt  }
0x6b: {  	_ =	shalt  }
0x6c: {  	_ =	shalt  }
0x6d: {  	_ =	shalt  }
0x6e: {  	_ =	shalt  }
0x6f: {  	_ =	shalt  }
0x70: {  	_ =	shalt  }
0x71: {  	_ =	shalt  }
0x72: {  	_ =	shalt  }
0x73: {  	_ =	shalt  }
0x74: {  	_ =	shalt  }
0x75: {  	_ =	shalt  }
0x76: {  	_ =	shalt  }
0x77: {  	_ =	shalt  }
0x78: {  	_ =	shalt  }
0x79: {  	_ =	shalt  }
0x7a: {  	_ =	shalt  }
0x7b: {  	_ =	shalt  }
0x7c: {  	_ =	shalt  }
0x7d: {  	_ =	shalt  }
0x7e: {  	_ =	shalt  }
0x7f: {  	_ =	shalt  }
0x80: {  	_ =	shalt  }
0x81: {  	_ =	shalt  }
0x82: {  	_ =	shalt  }
0x83: {  	_ =	shalt  }
0x84: {  	_ =	shalt  }
0x85: {  	_ =	shalt  }
0x86: {  	_ =	shalt  }
0x87: {  	_ =	shalt  }
.Lfunc_end0:
.L_simem_size_0:
called_computation_lowered:
.L_overlay_start_0:
0x88: {  	s2 =	sld [smem:$0x3FD9]  }
0x89: {  	s3 =	sld [smem:$0x3FFE];
	_ =	sdelay $0x1  }
0x8a: {  	s1 =	srdreg.scid  }
0x8b: {  	s0 =	sand.u32 $0x1, s1  }
0x8c: {  	s17 =	sshll.u32 s0, $0xA;
	s2 =	sadd.s32 s3, s2  }
0x8d: {  	s2 =	sadd.s32 s2, s17  }
0x8e: {  	[smem:$0x3FC2] =	sst s2  }
0x8f: {  	_ = 	snop  }
0x90: {  	s2 =	sld [smem:$0x3FD0];
	(tm) =	ssettm $0x1  }
0x91: {  	s18 =	sld [smem:$0x3FFB];
	_ =	sdelay $0x3  }
0x92: {  	_ =	strace s18  }
0x93: {  	s3 =	sld [smem:$0x3FFC];
	_ =	sdelay $0x3  }
0x94: {  	_ =	strace s3  }
0x95: {  	s3 =	sld [smem:$0x3FFD];
	_ =	sdelay $0x3  }
0x96: {  	_ =	strace s3  }
0x97: {  	_ =	strace $0x8FFFFFFF  }
0x98: {  	s19 =	sld [smem:$0x3FDB];
	_ =	sdelay $0x1  }
0x99: {  	s4 =	simm.s32 $_scs_section_size  }
0x9a: {  	s5 =	simm.s32 $_size__tile_overlayer_lowered;
	s6 =	simm.s32 $_tile_overlayer_lowered  }
0x9b: {  	s22 =	simm.s32 $0x1BFF;
	s21 =	sshll.u32 s6, $0x1;
	s3 =	sadd.s32 s4, s19  }
0x9c: {  	s7 =	simm.s32 $0x0;
	s20 =	sshll.u32 s5, $0x1;
	s5 =	sadd.s32 s21, s3  }
0x9d: {  	[timem:s7], [sflag:s22] =	dma.local [hbm:s5], s20  }
0x9e: {  	_ =	swait.ge [sflag:s22], s20  }
0x9f: {  	s4 =	ssub.s32 $0x0, s20;
	[sflag:s22] =	ssyncset.done $0x0  }
0xa0: {  	[sflag:s22] =	ssyncadd.s32 s4;
	_ =	sdelay $0x1  }
0xa1: {  	s23 =	simm.s32 $0x1B8B  }
0xa2: {  	_ =	swait.ge [sflag:s23], $0x1  }
0xa3: {  	[sflag:s23] =	ssyncset.done $0x0  }
0xa4: {  	s25 =	simm.s32 $0x1B8E;
	s24 =	sld [smem:$0x3FFE];
	[sflag:s23] =	ssyncadd.s32 $0xFFFFFFFF  }
0xa5: {  	s26 =	simm.s32 $execute0_lowered;
	[smem:$0x3FD2] =	sst s25  }
0xa6: {  	s5 =	sshll.u32 s26, $0x1;
	_ =	strace $0x80000046;
	[dreg:$0x1] =	wrdreg $0xFFFFFFFF  }
0xa7: {  	s28 =	simm.s32 $_size_execute0_lowered;
	s3 =	sadd.s32 s3, s5;
	[dreg:$0x0] =	wrdreg $0x0  }
0xa8: {  	s5 =	sshll.u32 s28, $0x1;
	[dreg:$0x2] =	wrdreg s3  }
0xa9: {  	[dreg:$0x3] =	wrdreg s5  }
0xaa: {  	[dreg:$0x4] =	wrdreg $0xC0  }
0xab: {  	_ =	task [dreg:s7], $0x5FFFF  }
0xac: {  	[dreg:$0x1] =	wrdreg $0xFFFFFFFF  }
0xad: {  	[dreg:$0x0] =	wrdreg $0x60  }
0xae: {  	[dreg:$0x2] =	wrdreg s2  }
0xaf: {  	[dreg:$0x3] =	wrdreg s24  }
0xb0: {  	[dreg:$0x4] =	wrdreg $0x0  }
0xb1: {  	[dreg:$0x5] =	wrdreg $0x9  }
0xb2: {  	_ =	task.clear_ibuf [dreg:s7], $0x6FFFF;
	_ =	strace $0x90000046  }
0xb3: {  	s29 =	simm.s32 $0x9;
	_ =	strace $0x80000048  }
0xb4: {  	_ =	swait.ge [sflag:s29], $0x1  }
0xb5: {  	[sflag:s29] =	ssyncadd.s32 $0xFFFFFFFF  }
0xb6: {  	_ =	strace $0x90000048  }
0xb7: {  	_ =	sfence  }
0xb8: {  	s30 =	sld [smem:$0x0];
	_ =	sdelay $0x2  }
0xb9: {  	s31 =	sshll.u32 s1, $0xD;
	s1 =	sshrl.u32 s1, $0x2  }
0xba: {  	s3 =	sand.u32 $0x4000, s31;
	s1 =	sadd.s32 s1, s30  }
0xbb: {  	s0 =	sor.u32 s3, s0;
	s1 =	sshll.u32 s1, $0x11  }
0xbc: {  	s0 =	sor.u32 s1, s0  }
0xbd: {  	s0 =	sadd.s32 $0x8F2B, s0  }
0xbe: {  	[sflag:s0] =	ssyncadd.remote.s32 $0x1  }
0xbf: {  	_ =	sfence.sel $0xFFFF  }
0xc0: {  	[dreg:$0x0] =	wrdreg $0xFFFFFFFF;
	(pc) =	sbr.abs _section_cstart, $3  }
0xc1: {  	[dreg:$0x1] =	wrdreg $0xFFFFFFFF  }
0xc2: {  	_ =	task.clear_ibuf [dreg:s7], $0x2FFFF;
	_ =	strace $0x9FFFFFFF  }
0xc3: {  	(tm) =	ssettm $0x7FFFFFFF  }
tec
execute0_lowered:
.L_overlay_start_1:
0x0: {  	(tag) =	ssettag $0x1  }
0x1: {  	s1 =	rddreg [dreg:$0x0]  }
0x2: {  	s0 =	rddreg [dreg:$0x1]  }
0x3: {  	s3 =	rddreg [dreg:$0x2];
	s4 =	simm.s32 $0x0  }
0x4: {  	s15 =	stileid.u32;
	s5 =	srdreg.scid;
	s28 =	simm.s32 $0x14180  }
0x5: {  	s29 =	simm.s32 $0x18200;
	s30 =	simm.s32 $0x1;
	s31 =	simm.s32 $0x2  }
0x6: {  	[smem:$0x7FF] =	sst s4;
	s2 =	smul.u32 $0x14000, s15;
	s6 =	sadd.s32 $0xB800, s0  }
0x7: {  	s5 =	sand.u32 $0x1, s5;
	s7 =	sadd.s32 $0x1A00, s0;
	s11 =	sshrl.u32 s15, $0x3  }
0x8: {  	s12 =	sadd.s32 $0x15800, s0;
	s14 =	sadd.s32 $0x15600, s0;
	s18 =	smul.u32 $0x50000, s15  }
0x9: {  	s16 =	sshll.u32 s15, $0x7;
	s19 =	sshll.u32 s15, $0x1;
	s9 =	smul.u32 $0x140000, s5  }
0xa: {  	_ =	strace $0x80000047;
	s10 =	smul.u32 $0x28000, s5;
	[dreg:$0x4] =	wrdreg s12  }
0xb: {  	s22 =	sshll.u32 s15, $0x6;
	s13 =	smul.u32 $0x14000, s11;
	[dreg:$0x5] =	wrdreg s14  }
0xc: {  	s17 =	sand.u32 $0x380, s16;
	s20 =	ssub.s32 $0x2, s5;
	s14 =	smul.u32 $0x4E20, s15  }
0xd: {  	s11 =	sor.u32 s5, s19;
	s5 =	smul.u32 $0x2710, s5;
	s8 =	sshrl.u32 s2, $0x3  }
0xe: {  	s19 =	simm.s32 $0x3;
	s11 =	smul.u32 $0x2710, s11;
	s8 =	sadd.s32 s8, s0  }
0xf: {  	s2 =	sadd.s32 s2, s9;
	s9 =	sadd.s32 s10, s13;
	s13 =	sshrl.u32 s20, $0x1  }
0x10: {  	s10 =	sshrl.u32 s18, $0x2;
	s25 =	sadd.s32 s5, s14;
	s5 =	simm.s32 $0x1C300  }
0x11: {  	s2 =	sshrl.u32 s2, $0x3;
	s9 =	sor.u32 s17, s9;
	s13 =	ssub.s32 s20, s13  }
0x12: {  	s18 =	sadd.s32 s10, s3;
	s8 =	sadd.s32 $0x15E00, s8;
	s21 =	sshrl.u32 s11, $0x3  }
0x13: {  	s26 =	sshrl.u32 s25, $0x3;
	s20 =	simm.s32 $0x1CB00;
	s2 =	sadd.s32 s2, s0  }
0x14: {  	s9 =	sshrl.u32 s9, $0x3;
	[dreg:$0x6] =	wrdreg s8;
	s23 =	sadd.s32 $0x4E0, s21  }
0x15: {  	s8 =	sor.u32 $0x1C03, s22;
	s13 =	smax.u32 s13, $0x1;
	s14 =	sadd.s32 s26, s7  }
0x16: {  	s15 =	sadd.s32 s26, s6;
	s18 =	sshrl.u32 s18, $0x3;
	s22 =	simm.s32 $0x14000  }
0x17: {  	s26 =	simm.s32 $0x14100;
	s21 =	simm.s32 $0x10;
	s0 =	sadd.s32 s9, s0  }
0x18: {  	s24 =	sadd.s32 s6, s23;
	s10 =	sadd.s32 s7, s23;
	s11 =	sadd.s32 $0x3DE00, s2  }
0x19: {  	s23 =	simm.s32 $0x14080;
	s12 =	sadd.s32 $0x8DE00, s0;
	s0 =	sadd.s32 $0x80, s25  }
0x1a: {  	s2 =	simm.s32 $0x1C280;
	[dreg:$0x7] =	wrdreg s24;
	s0 =	sshrl.u32 s0, $0x3  }
0x1b: {  	s24 =	simm.s32 $0x80;
	s25 =	simm.s32 $0x14200;
	s16 =	sadd.s32 s0, s7  }
0x1c: {  	s17 =	sadd.s32 s0, s6;
	s0 =	simm.s32 $0x1C200;
	s6 =	simm.s32 $0x0  }
.LBB2_1:
0x1d: {  	s7 =	rddreg [dreg:$0x6]  }
0x1e: {  	[spmem:s18], [sflag:s8] =	dma.local [hbm:s7], $0x2800  }
0x1f: {  	_ =	swait.ge [sflag:s19], $0x2800  }
0x20: {  	[sflag:s19] =	ssyncset.done $0x0  }
0x21: {  	s9 =	rddreg [dreg:$0x4];
	[sflag:s19] =	ssyncadd.s32 $0xFFFFD800  }
0x22: {  	[tilespmem:s20], [sflag:$0x3] =	stream.linear.gather [hbm4b:s9+s4], $0x2800, $0x38;
	[tilespmem:$0x1F380] =	vst v63  }
0x23: {  	_ =	swait.ge [sflag:s19], $0x2800  }
0x24: {  	[sflag:s19] =	ssyncset.done $0x0  }
0x25: {  	s9 =	simm.s32 $0x1F300;
	s7 =	rddreg [dreg:$0x5];
	[sflag:s19] =	ssyncadd.s32 $0xFFFFD800  }
0x26: {  	[tilespmem:s9], [sflag:$0x3] =	stream.linear.gather [hbm4b:s7+s4], $0x80, $0x38;
	[tilespmem:$0x1F380] =	vst v63  }
0x27: {  	_ =	swait.ge [sflag:s19], $0x80  }
0x28: {  	[sflag:s19] =	ssyncset.done $0x0  }
0x29: {  	[sflag:s19] =	ssyncadd.s32 $0xFFFFFF80  }
0x2a: {  	s7 =	simm.s32 $0x0;
	[bflag:$0x0] =	sbarrier.arrive $0xFFFF  }
.LBB2_2:
0x2b: {  	s9 =	sadd.s32 s7, s15  }
0x2c: {  	[tilespmem:s22], [sflag:$0x3] =	stream.linear.gather [hbm4b:s9+s4], $0x80, $0x38;
	[tilespmem:$0x1F380] =	vst v63  }
0x2d: {  	_ =	swait.ge [sflag:s19], $0x80  }
0x2e: {  	[sflag:s19] =	ssyncset.done $0x0  }
0x2f: {  	s9 =	sadd.s32 s7, s14;
	[sflag:s19] =	ssyncadd.s32 $0xFFFFFF80  }
0x30: {  	[tilespmem:s23], [sflag:$0x3] =	stream.linear.gather [hbm4b:s9+s4], $0x80, $0x38;
	[tilespmem:$0x1F380] =	vst v63  }
0x31: {  	_ =	swait.ge [sflag:s19], $0x80  }
0x32: {  	[sflag:s19] =	ssyncset.done $0x0  }
0x33: {  	[sflag:s19] =	ssyncadd.s32 $0xFFFFFF80  }
0x34: {  	[tilespmem:s25], [sflag:$0x1] =	stream.indirect.gather [hbm4b:s1+s24], $0x80, s22, s24, $0xb8;
	[tilespmem:$0x1F380] =	vst v63  }
0x35: {  	s9 =	sadd.s32 s7, s17  }
0x36: {  	[tilespmem:s26], [sflag:$0x3] =	stream.linear.gather [hbm4b:s9+s4], $0x80, $0x38;
	[tilespmem:$0x1F380] =	vst v63  }
0x37: {  	_ =	swait.ge [sflag:s19], $0x80  }
0x38: {  	[sflag:s19] =	ssyncset.done $0x0  }
0x39: {  	s9 =	sadd.s32 s7, s16;
	[sflag:s19] =	ssyncadd.s32 $0xFFFFFF80  }
0x3a: {  	[tilespmem:s28], [sflag:$0x3] =	stream.linear.gather [hbm4b:s9+s4], $0x80, $0x38;
	[tilespmem:$0x1F380] =	vst v63  }
0x3b: {  	_ =	swait.ge [sflag:s19], $0x80  }
0x3c: {  	[sflag:s19] =	ssyncset.done $0x0  }
0x3d: {  	[sflag:s19] =	ssyncadd.s32 $0xFFFFFF80  }
0x3e: {  	[tilespmem:s29], [sflag:$0x2] =	stream.indirect.gather [hbm4b:s1+s24], $0x80, s26, s24, $0xb8;
	[tilespmem:$0x1F380] =	vst v63  }
0x3f: {  	_ =	swait.ge [sflag:s30], $0x4000  }
0x40: {  	[sflag:s30] =	ssyncset.done $0x0  }
0x41: {  	[sflag:s30] =	ssyncadd.s32 $0xFFFFC000  }
0x42: {  	[spmem:s3] =	stream.indirect.scatter.add.f32 [tilespmem:s25], [sflag:$0x3], $0x80, s23, s24, $0xb8;
	[tilespmem:$0x1F380] =	vst v63  }
0x43: {  	_ =	swait.ge [sflag:s19], $0x4000  }
0x44: {  	[sflag:s19] =	ssyncset.done $0x0  }
0x45: {  	[sflag:s19] =	ssyncadd.s32 $0xFFFFC000  }
0x46: {  	v0 =	vld [tilespmem:$0x14080];
	_ =	sdelay $0x2  }
0x47: {  	v1 =	vld [tilespmem:$0x1F300];
	_ =	sdelay $0x4  }
0x48: {  	[tilespmem:v0+s20+$0x0] =	vst.idx.add.f32.msk $0xffff, v1  }
0x49: {  	v0 =	vld [tilespmem:$0x14090];
	_ =	sdelay $0x7  }
0x4a: {  	[tilespmem:v0+s20+$0x0] =	vst.idx.add.f32.msk $0xffff, v1  }
0x4b: {  	v0 =	vld [tilespmem:$0x140A0];
	_ =	sdelay $0x7  }
0x4c: {  	[tilespmem:v0+s20+$0x0] =	vst.idx.add.f32.msk $0xffff, v1  }
0x4d: {  	v0 =	vld [tilespmem:$0x140B0];
	_ =	sdelay $0x7  }
0x4e: {  	[tilespmem:v0+s20+$0x0] =	vst.idx.add.f32.msk $0xffff, v1  }
0x4f: {  	v0 =	vld [tilespmem:$0x140C0];
	_ =	sdelay $0x7  }
0x50: {  	[tilespmem:v0+s20+$0x0] =	vst.idx.add.f32.msk $0xffff, v1  }
0x51: {  	v0 =	vld [tilespmem:$0x140D0];
	_ =	sdelay $0x7  }
0x52: {  	[tilespmem:v0+s20+$0x0] =	vst.idx.add.f32.msk $0xffff, v1  }
0x53: {  	v0 =	vld [tilespmem:$0x140E0];
	_ =	sdelay $0x7  }
0x54: {  	[tilespmem:v0+s20+$0x0] =	vst.idx.add.f32.msk $0xffff, v1  }
0x55: {  	v0 =	vld [tilespmem:$0x140F0];
	_ =	sdelay $0x7  }
0x56: {  	[tilespmem:v0+s20+$0x0] =	vst.idx.add.f32.msk $0xffff, v1  }
0x57: {  	_ =	swait.ge [sflag:s31], $0x4000  }
0x58: {  	[sflag:s31] =	ssyncset.done $0x0  }
0x59: {  	[sflag:s31] =	ssyncadd.s32 $0xFFFFC000  }
0x5a: {  	[spmem:s3] =	stream.indirect.scatter.add.f32 [tilespmem:s29], [sflag:$0x3], $0x80, s28, s24, $0xb8;
	[tilespmem:$0x1F380] =	vst v63  }
0x5b: {  	_ =	swait.ge [sflag:s19], $0x4000  }
0x5c: {  	[sflag:s19] =	ssyncset.done $0x0  }
0x5d: {  	[sflag:s19] =	ssyncadd.s32 $0xFFFFC000  }
0x5e: {  	v62 =	vld [tilespmem:$0x14180];
	_ =	sdelay $0x2  }
0x5f: {  	v63 =	vld [tilespmem:$0x1F300];
	_ =	sdelay $0x4  }
0x60: {  	[tilespmem:v62+s20+$0x0] =	vst.idx.add.f32.msk $0xffff, v63  }
0x61: {  	v0 =	vld [tilespmem:$0x14190];
	_ =	sdelay $0x7  }
0x62: {  	[tilespmem:v0+s20+$0x0] =	vst.idx.add.f32.msk $0xffff, v63  }
0x63: {  	v0 =	vld [tilespmem:$0x141A0];
	_ =	sdelay $0x7  }
0x64: {  	[tilespmem:v0+s20+$0x0] =	vst.idx.add.f32.msk $0xffff, v63  }
0x65: {  	v0 =	vld [tilespmem:$0x141B0];
	_ =	sdelay $0x7  }
0x66: {  	[tilespmem:v0+s20+$0x0] =	vst.idx.add.f32.msk $0xffff, v63  }
0x67: {  	v0 =	vld [tilespmem:$0x141C0];
	_ =	sdelay $0x7  }
0x68: {  	[tilespmem:v0+s20+$0x0] =	vst.idx.add.f32.msk $0xffff, v63  }
0x69: {  	v0 =	vld [tilespmem:$0x141D0];
	_ =	sdelay $0x7  }
0x6a: {  	[tilespmem:v0+s20+$0x0] =	vst.idx.add.f32.msk $0xffff, v63  }
0x6b: {  	v0 =	vld [tilespmem:$0x141E0];
	_ =	sdelay $0x7  }
0x6c: {  	[tilespmem:v0+s20+$0x0] =	vst.idx.add.f32.msk $0xffff, v63  }
0x6d: {  	v0 =	vld [tilespmem:$0x141F0];
	_ =	sdelay $0x2  }
0x6e: {  	p0 =	sne.s32 s7, $0x4C0  }
.Ltmp0:
0x6f: {  	_ = 	snop;
	(pc) =	sbr.rel @p0 .LBB2_2-.Ltmp0, $2  }
0x70: {  	_ =	sdelay $0x2  }
0x71: {  	s7 =	sadd.s32 $0x20, s7;
	[tilespmem:v0+s20+$0x0] =	vst.idx.add.f32.msk $0xffff, v63  }
0x72: {  	s7 =	rddreg [dreg:$0x7]  }
0x73: {  	[tilespmem:s0], [sflag:$0x3] =	stream.linear.gather [hbm4b:s7+s4], $0x10, $0x38;
	[tilespmem:$0x1F380] =	vst v63  }
0x74: {  	_ =	swait.ge [sflag:s19], $0x10  }
0x75: {  	[sflag:s19] =	ssyncset.done $0x0  }
0x76: {  	[sflag:s19] =	ssyncadd.s32 $0xFFFFFFF0  }
0x77: {  	[tilespmem:s2], [sflag:$0x3] =	stream.linear.gather [hbm4b:s10+s4], $0x10, $0x38;
	[tilespmem:$0x1F380] =	vst v63  }
0x78: {  	_ =	swait.ge [sflag:s19], $0x10  }
0x79: {  	[sflag:s19] =	ssyncset.done $0x0  }
0x7a: {  	[sflag:s19] =	ssyncadd.s32 $0xFFFFFFF0  }
0x7b: {  	[tilespmem:s5], [sflag:$0x1] =	stream.indirect.gather [hbm4b:s1+s21], $0x80, s0, s21, $0xb8;
	[tilespmem:$0x1F380] =	vst v63  }
0x7c: {  	_ =	swait.ge [sflag:s30], $0x800  }
0x7d: {  	[sflag:s30] =	ssyncset.done $0x0  }
0x7e: {  	[sflag:s30] =	ssyncadd.s32 $0xFFFFF800  }
0x7f: {  	[spmem:s3] =	stream.indirect.scatter.add.f32 [tilespmem:s5], [sflag:$0x3], $0x80, s2, s21, $0xb8;
	[tilespmem:$0x1F380] =	vst v63  }
0x80: {  	_ =	swait.ge [sflag:s19], $0x800  }
0x81: {  	[sflag:s19] =	ssyncset.done $0x0  }
0x82: {  	[sflag:s19] =	ssyncadd.s32 $0xFFFFF800  }
0x83: {  	v0 =	vld [tilespmem:$0x1C280];
	_ =	sdelay $0x2  }
0x84: {  	v1 =	vld [tilespmem:$0x1F300];
	_ =	sdelay $0x4  }
0x85: {  	[tilespmem:v0+s20+$0x0] =	vst.idx.add.f32.msk $0xffff, v1  }
0x86: {  	[bflag:$0x0] =	sbarrier.arrive $0xFFFF  }
0x87: {  	[hbm:s11], [sflag:s8] =	dma.local [spmem:s18], $0x2800  }
0x88: {  	s6 =	sadd.s32 $0x1, s6;
	_ =	swait.ge [sflag:s19], $0x2800  }
0x89: {  	p0 =	sne.s32 s6, s13;
	[sflag:s19] =	ssyncset.done $0x0  }
.Ltmp1:
0x8a: {  	s9 =	simm.s32 $0x400;
	[sflag:s19] =	ssyncadd.s32 $0xFFFFD800;
	(pc) =	sbr.rel @p0 .LBB2_1-.Ltmp1, $4  }
0x8b: {  	[hbm4b:s12+s24] =	stream.strided.scatter [tilespmem:s20], [sflag:$0x3], $0x2800, s9, s24, $0x38;
	[tilespmem:$0x1F380] =	vst v63  }
0x8c: {  	_ =	swait.ge [sflag:s19], $0x2800  }
0x8d: {  	[sflag:s19] =	ssyncset.done $0x0  }
0x8e: {  	[sflag:s19] =	ssyncadd.s32 $0xFFFFD800  }
0x8f: {  	_ =	sfence.sel $0x180000  }
0x90: {  	[bflag:$0x0] =	sbarrier.arrive $0xFFFF  }
0x91: {  	_ =	strace $0x90000047  }
0x92: {  	s0 =	stileid.u32;
	[bflag:$0x2] =	sbarrier.arrive $0xFFFF  }
0x93: {  	p0 =	sne.s32 s0, $0x0;
	s0 =	rddreg [dreg:$0x3]  }
0x94: {  	s0 =	sadd.s32 @!p0 $0x100000, s0  }
0x95: {  	[sflag:s0] =	ssyncadd.tile.s32 @!p0 $0x1;
	_ =	shalt  }
.Lfunc_end2:
_tile_overlayer_lowered:
.L_overlay_start_2:
0x96: {  	(tag) =	ssettag $0x2  }
0x97: {  	s0 =	rddreg [dreg:$0x0];
	s2 =	stileid.u32  }
0x98: {  	s1 =	rddreg [dreg:$0x1];
	p0 =	sne.s32 s2, $0x0  }
0x99: {  	s3 =	rddreg [dreg:$0x2];
	[bflag:$0x3] =	sbarrier.arrive $0xFFFF;
	s2 =	simm.s32 @!p0 $0x1C03  }
0x9a: {  	[timem:s3], [sflag:s2] =	dma.local @!p0 [hbm:s0], s1  }
0x9b: {  	s0 =	simm.s32 @!p0 $0x3  }
0x9c: {  	_ =	swait.ge @!p0 [sflag:s0], s1  }
0x9d: {  	s1 =	ssub.s32 @!p0 $0x0, s1;
	[sflag:s0] =	ssyncset.done @!p0 $0x0  }
0x9e: {  	[sflag:s0] =	ssyncadd.s32 @!p0 s1  }
0x9f: {  	[bflag:$0x3] =	sbarrier.arrive $0xFFFF  }
0xa0: {  	_ =	shalt  }

</sc_bundles>
